<compile_context>
chip_gen: v7x
topology: tpu7x:2x2x1
jax: 0.10.2.dev20260603
libtpu: 0.0.44.dev20260713+nightly
codegen_flags: <defaults>
</compile_context>

<pallas_src>
import functools

import jax
import jax.numpy as jnp
from jax import lax
from jax.experimental import pallas as pl
from jax.experimental.pallas import tpu as pltpu
from jax.experimental.pallas import tpu_sc as plsc

NC = 2
NS = 16
NW = NC * NS

N_NODES = 10000
N_EDGES = 160000
D_FEAT = 128
EMB_DIM = 32
OUT_DIM = 32
NUM_RELS = 8

NBG = 320
GROUPS = 5
GB = N_EDGES // (NW * GROUPS)
ZCH = N_NODES // NS

@functools.cache
def _sc_kernels():
    mesh = plsc.VectorSubcoreMesh(core_axis_name="c", subcore_axis_name="s",
                                  num_cores=NC, num_subcores=NS)
    params = pltpu.CompilerParams(use_tc_tiling_on_sc=False)

    @functools.partial(
        pl.kernel,
        out_type=jax.ShapeDtypeStruct((N_NODES, EMB_DIM), jnp.float32),
        mesh=mesh,
        compiler_params=params,
        scratch_types=[
            pltpu.VMEM((NBG,), jnp.int32),
            pltpu.VMEM((NBG, EMB_DIM), jnp.float32),
            pltpu.SemaphoreType.DMA,
        ],
    )
    def _embed_gather(embed_hbm, idx_hbm, out_hbm, idx_v, rows_v, sem):
        w = lax.axis_index("c") * NS + lax.axis_index("s")
        start = jnp.minimum(w * NBG, N_NODES - NBG)
        pltpu.sync_copy(idx_hbm.at[pl.ds(start, NBG)], idx_v)
        pltpu.async_copy(embed_hbm.at[idx_v], rows_v, sem).wait()
        pltpu.sync_copy(rows_v, out_hbm.at[pl.ds(start, NBG)])

    @functools.partial(
        pl.kernel,
        out_type=jax.ShapeDtypeStruct((NC * N_NODES, OUT_DIM), jnp.float32),
        mesh=mesh,
        compiler_params=params,
        scratch_types=[
            pltpu.VMEM((GROUPS * GB,), jnp.int32),
            pltpu.VMEM((GROUPS * GB,), jnp.int32),
            pltpu.VMEM((GB, OUT_DIM), jnp.float32),
            pltpu.VMEM((GB, OUT_DIM), jnp.float32),
            pltpu.VMEM_SHARED((N_NODES, OUT_DIM), jnp.float32),
            pltpu.SemaphoreType.DMA,
            pltpu.SemaphoreType.DMA,
            pltpu.SemaphoreType.DMA,
            pltpu.SemaphoreType.DMA,
        ],
    )
    def _edge_agg(y_hbm, gi_hbm, dst_hbm, zeros_hbm, out_hbm,
                  gi_v, dst_v, r0, r1, acc_sh, sg0, sg1, ss0, ss1):
        c = lax.axis_index("c")
        s = lax.axis_index("s")
        w = c * NS + s
        ebase = w * (GROUPS * GB)

        pltpu.sync_copy(gi_hbm.at[pl.ds(ebase, GROUPS * GB)], gi_v)
        pltpu.sync_copy(dst_hbm.at[pl.ds(ebase, GROUPS * GB)], dst_v)

        bufs = [(r0, sg0, ss0), (r1, sg1, ss1)]
        gathers = {}
        for g in range(min(2, GROUPS)):
            rb, sg, _ = bufs[g % 2]
            gathers[g] = pltpu.async_copy(
                y_hbm.at[gi_v.at[pl.ds(g * GB, GB)]], rb, sg)

        pltpu.sync_copy(zeros_hbm.at[pl.ds(s * ZCH, ZCH)],
                        acc_sh.at[pl.ds(s * ZCH, ZCH)])
        plsc.subcore_barrier()

        scats = {}
        for g in range(GROUPS):
            rb, sg, ss = bufs[g % 2]
            gathers[g].wait()
            scats[g] = pltpu.async_copy(
                rb, acc_sh.at[dst_v.at[pl.ds(g * GB, GB)]], ss, add=True)
            if g + 2 < GROUPS:
                scats[g].wait()
                gathers[g + 2] = pltpu.async_copy(
                    y_hbm.at[gi_v.at[pl.ds((g + 2) * GB, GB)]], rb, sg)
        for g in range(max(0, GROUPS - 2), GROUPS):
            scats[g].wait()

        plsc.subcore_barrier()

        pltpu.sync_copy(acc_sh.at[pl.ds(s * ZCH, ZCH)],
                        out_hbm.at[pl.ds(c * N_NODES + s * ZCH, ZCH)])

    return _embed_gather, _edge_agg


def _dense_body(feat_ref, g_ref, t_ref, w_ref, wc_ref, sl_ref,
                y_ref, fc_ref):
    t1 = t_ref[:D_FEAT, :]
    t2 = t_ref[D_FEAT:, :]
    fea = (jnp.dot(feat_ref[...], t1, preferred_element_type=jnp.float32)
           + jnp.dot(g_ref[...], t2, preferred_element_type=jnp.float32))
    w8 = jnp.sum(wc_ref[...][:, :, None, None] * w_ref[...][None, :, :, :],
                 axis=1)
    wcat = jnp.concatenate([w8[r] for r in range(NUM_RELS)], axis=1)
    y_ref[...] = jnp.dot(fea, wcat, preferred_element_type=jnp.float32)
    curr = jnp.dot(fea, sl_ref[...], preferred_element_type=jnp.float32)
    fc_ref[...] = jnp.concatenate([fea, curr], axis=1)


_RB = 2000

_dense = pl.pallas_call(
    _dense_body,
    grid=(N_NODES // _RB,),
    in_specs=[
        pl.BlockSpec((_RB, D_FEAT), lambda i: (i, 0)),
        pl.BlockSpec((_RB, EMB_DIM), lambda i: (i, 0)),
        pl.BlockSpec((D_FEAT + EMB_DIM, OUT_DIM), lambda i: (0, 0)),
        pl.BlockSpec((4, OUT_DIM, OUT_DIM), lambda i: (0, 0, 0)),
        pl.BlockSpec((NUM_RELS, 4), lambda i: (0, 0)),
        pl.BlockSpec((OUT_DIM, OUT_DIM), lambda i: (0, 0)),
    ],
    out_specs=[
        pl.BlockSpec((_RB, NUM_RELS * OUT_DIM), lambda i: (i, 0)),
        pl.BlockSpec((_RB, 2 * OUT_DIM), lambda i: (i, 0)),
    ],
    out_shape=[
        jax.ShapeDtypeStruct((N_NODES, NUM_RELS * OUT_DIM), jnp.float32),
        jax.ShapeDtypeStruct((N_NODES, 2 * OUT_DIM), jnp.float32),
    ],
)


def _assemble_body(fc_ref, a0_ref, a1_ref, out_ref):
    out_ref[:, :OUT_DIM] = fc_ref[:, :OUT_DIM]
    out_ref[:, OUT_DIM:] = fc_ref[:, OUT_DIM:] + a0_ref[...] + a1_ref[...]


_AB = 2000
_ANB = N_NODES // _AB

_assemble = pl.pallas_call(
    _assemble_body,
    grid=(_ANB,),
    in_specs=[
        pl.BlockSpec((_AB, 2 * OUT_DIM), lambda i: (i, 0)),
        pl.BlockSpec((_AB, OUT_DIM), lambda i: (i, 0)),
        pl.BlockSpec((_AB, OUT_DIM), lambda i: (i + _ANB, 0)),
    ],
    out_specs=pl.BlockSpec((_AB, 2 * OUT_DIM), lambda i: (i, 0)),
    out_shape=jax.ShapeDtypeStruct((N_NODES, 2 * OUT_DIM), jnp.float32),
)


def kernel(feat, idx, edge_index, edge_type, embed, transform, weight,
           w_comp, self_loop_weight):
    src = edge_index[0]
    dst = edge_index[1]

    embed_gather, edge_agg = _sc_kernels()

    g = embed_gather(embed, idx.astype(jnp.int32))

    y, fc = _dense(feat, g, transform, weight, w_comp,
                   self_loop_weight)
    y_flat = y.reshape(NUM_RELS * N_NODES, OUT_DIM)

    gi = (src.astype(jnp.int32) * NUM_RELS
          + edge_type.astype(jnp.int32))
    dst_r = dst.astype(jnp.int32)
    zeros = jnp.zeros((N_NODES, OUT_DIM), jnp.float32)

    acc = edge_agg(y_flat, gi, dst_r, zeros)

    out = _assemble(fc, acc, acc)
    return out.reshape(-1, 2, OUT_DIM)

# --- scband reference (transcript-rebuilt; emitter-appended) ---
"""Pipeline reference for scband-rgcnbasis-layer-4629974745758 (READ-ONLY COPY).

The authoritative reference and input builder live on the scoring server;
editing this copy changes nothing except your own understanding.
"""

import jax, jax.numpy as jnp
import numpy as np

N_NODES = 10000
N_EDGES = 160000
D_FEAT = 128
EMB_DIM = 32
INP_DIM = D_FEAT + EMB_DIM
OUT_DIM = 32
NUM_RELS = 8
NUM_BASES = 4


def setup_inputs(seed: int = 0) -> dict:
    key = jax.random.key(seed)
    ks = jax.random.split(key, 10)
    feat = jax.random.normal(ks[0], (N_NODES, D_FEAT), dtype=jnp.float32)
    idx = jax.random.randint(ks[1], (N_NODES,), 0, N_NODES, dtype=jnp.int64) if jax.config.jax_enable_x64 else jax.random.randint(ks[1], (N_NODES,), 0, N_NODES, dtype=jnp.int32)
    edge_index = jax.random.randint(ks[2], (2, N_EDGES), 0, N_NODES, dtype=jnp.int32)
    edge_type = jax.random.randint(ks[3], (N_EDGES,), 0, NUM_RELS, dtype=jnp.int32)
    # learned parameters
    embed = jax.random.normal(ks[4], (N_NODES, EMB_DIM), dtype=jnp.float32) * 0.1
    transform = jax.random.normal(ks[5], (INP_DIM, OUT_DIM), dtype=jnp.float32) * (1.0 / np.sqrt(INP_DIM))
    weight = jax.random.normal(ks[6], (NUM_BASES, OUT_DIM, OUT_DIM), dtype=jnp.float32) * (1.0 / np.sqrt(OUT_DIM))
    w_comp = jax.random.normal(ks[7], (NUM_RELS, NUM_BASES), dtype=jnp.float32) * (1.0 / np.sqrt(NUM_BASES))
    self_loop_weight = jax.random.normal(ks[8], (OUT_DIM, OUT_DIM), dtype=jnp.float32) * (1.0 / np.sqrt(OUT_DIM))
    return {
        'feat': feat,
        'idx': idx,
        'edge_index': edge_index,
        'edge_type': edge_type,
        'embed': embed,
        'transform': transform,
        'weight': weight,
        'w_comp': w_comp,
        'self_loop_weight': self_loop_weight,
    }


def reference(feat, idx, edge_index, edge_type, embed, transform, weight, w_comp, self_loop_weight):
    n_nodes = feat.shape[0]
    out_dim = transform.shape[1]
    num_rels = w_comp.shape[0]
    num_bases = weight.shape[0]
    # init_feat = cat([feat, embed[idx]]); init_fea = init_feat @ transform
    init_feat = jnp.concatenate([feat, jnp.take(embed, idx, axis=0)], axis=1)
    init_fea = init_feat @ transform
    # basis decomposition: per-relation weights
    W = (w_comp @ weight.reshape(num_bases, out_dim * out_dim)).reshape(num_rels, out_dim, out_dim)
    src = edge_index[0]
    dst = edge_index[1]
    # msg_func: per-edge x @ W[type], edge weight = ones (edge_dropout=0 -> Identity)
    x = jnp.take(init_fea, src, axis=0)
    w_e = jnp.take(W, edge_type, axis=0)
    ew = jnp.ones((src.shape[0], 1), dtype=feat.dtype)
    msg = ew * jnp.einsum('ed,edo->eo', x, w_e)
    # has_attn=False -> alpha = ones
    alpha = jnp.ones((src.shape[0], 1), dtype=feat.dtype)
    # sum aggregator: h[dst] = curr_emb(dst) + sum_e alpha_e * msg_e
    agg = jax.ops.segment_sum(alpha * msg, dst, num_segments=n_nodes)
    curr_emb = init_fea @ self_loop_weight
    node_repr = curr_emb + agg
    # bias=None, activation=None, dropout=None
    # is_input_layer and add_transe_emb: repr = cat([init_fea, h]).reshape(-1, 2, out_dim)
    repr_out = jnp.concatenate([init_fea, node_repr], axis=1).reshape(-1, 2, out_dim)
    return repr_out

if __name__ == "__main__":
    import jax
    _d = setup_inputs()
    print(jax.jit(kernel)(*tuple(_d.values())))

</pallas_src>

<mosaic_0001>
#map = affine_map<(d0, d1) -> (0, 0)>
#map1 = affine_map<(d0, d1) -> (0)>
module attributes {stable_mosaic.version = 14 : i64} {
  func.func @_embed_gather(%arg0: i32, %arg1: i32, %arg2: memref<10000x32xf32, #tpu.memory_space<hbm>>, %arg3: memref<10000xi32, #tpu.memory_space<hbm>>, %arg4: memref<10000x32xf32, #tpu.memory_space<hbm>>, %arg5: memref<320xi32, #tpu.memory_space<vmem>>, %arg6: memref<320x32xf32, #tpu.memory_space<vmem>>, %arg7: memref<!tpu.dma_semaphore, #tpu.memory_space<semaphore_mem>>) attributes {dimension_semantics = [#tpu.dimension_semantics<core_parallel>, #tpu.dimension_semantics<subcore_parallel>], iteration_bounds = array<i64: 2, 16>, scalar_prefetch = 0 : i64, scratch_operands = 3 : i64, tpu.core_type = #tpu.core_type<sc_vector_subcore>, window_params = [{transform_indices = #map}, {transform_indices = #map1}, {transform_indices = #map}]} {
    %mul3A = arith.constant 16 : i32
    %mul3A_0 = arith.muli %arg0, %mul3A : i32
    %add3A = arith.addi %mul3A_0, %arg1 : i32
    %mul3A_1 = arith.constant 320 : i32
    %mul3A_2 = arith.muli %add3A, %mul3A_1 : i32
    %min3A = arith.constant 9680 : i32
    %min3A_3 = arith.minsi %mul3A_2, %min3A : i32
    "tpu.region"() ({
      %run_scoped3A = tpu.sem_alloc : memref<!tpu.dma_semaphore, #tpu.memory_space<semaphore_mem>>
      %dma_start3A_8 = tpu.memref_slice %arg3[%min3A_3] : memref<10000xi32, #tpu.memory_space<hbm>> -> memref<320xi32, #tpu.memory_space<hbm>>
      %dma_start3A_9 = tpu.memref_slice %arg3[%min3A_3] : memref<10000xi32, #tpu.memory_space<hbm>> -> memref<320xi32, #tpu.memory_space<hbm>>
      tpu.enqueue_dma source(%dma_start3A_9 : memref<320xi32, #tpu.memory_space<hbm>>) target(%arg5 : memref<320xi32, #tpu.memory_space<vmem>>) target_semaphore(%run_scoped3A : memref<!tpu.dma_semaphore, #tpu.memory_space<semaphore_mem>>)
      %dma_wait3A_10 = tpu.memref_slice %arg3[%min3A_3] : memref<10000xi32, #tpu.memory_space<hbm>> -> memref<320xi32, #tpu.memory_space<hbm>>
      %dma_wait3A_11 = tpu.memref_slice %arg3[%min3A_3] : memref<10000xi32, #tpu.memory_space<hbm>> -> memref<320xi32, #tpu.memory_space<hbm>>
      tpu.wait_dma2 semaphore(%run_scoped3A : memref<!tpu.dma_semaphore, #tpu.memory_space<semaphore_mem>>) src(%dma_wait3A_11 : memref<320xi32, #tpu.memory_space<hbm>>) dst(%arg5 : memref<320xi32, #tpu.memory_space<vmem>>)
      tpu.yield
    }) : () -> ()
    %dma_start3A = arith.constant 0 : i32
    %dma_start3A_4 = arith.constant 0 : i32
    %dma_start3A_5 = tpu.memref_slice %arg2[%dma_start3A, %dma_start3A_4] : memref<10000x32xf32, #tpu.memory_space<hbm>> -> memref<10000x32xf32, #tpu.memory_space<hbm>>
    tpu.enqueue_indirect_dma source(%dma_start3A_5 : memref<10000x32xf32, #tpu.memory_space<hbm>>) target(%arg6 : memref<320x32xf32, #tpu.memory_space<vmem>>) offsets(%arg5 : memref<320xi32, #tpu.memory_space<vmem>>) semaphore(%arg7 : memref<!tpu.dma_semaphore, #tpu.memory_space<semaphore_mem>>)
    %dma_wait3A = arith.constant 0 : i32
    %dma_wait3A_6 = arith.constant 0 : i32
    %dma_wait3A_7 = tpu.memref_slice %arg2[%dma_wait3A, %dma_wait3A_6] : memref<10000x32xf32, #tpu.memory_space<hbm>> -> memref<10000x32xf32, #tpu.memory_space<hbm>>
    tpu.wait_indirect_dma semaphore(%arg7 : memref<!tpu.dma_semaphore, #tpu.memory_space<semaphore_mem>>) src(%dma_wait3A_7 : memref<10000x32xf32, #tpu.memory_space<hbm>>) dst(%arg6 : memref<320x32xf32, #tpu.memory_space<vmem>>)
    "tpu.region"() ({
      %run_scoped3A = tpu.sem_alloc : memref<!tpu.dma_semaphore, #tpu.memory_space<semaphore_mem>>
      %dma_start3A_8 = arith.constant 0 : i32
      %dma_start3A_9 = tpu.memref_slice %arg4[%min3A_3, %dma_start3A_8] : memref<10000x32xf32, #tpu.memory_space<hbm>> -> memref<320x32xf32, #tpu.memory_space<hbm>>
      %dma_start3A_10 = arith.constant 0 : i32
      %dma_start3A_11 = tpu.memref_slice %arg4[%min3A_3, %dma_start3A_10] : memref<10000x32xf32, #tpu.memory_space<hbm>> -> memref<320x32xf32, #tpu.memory_space<hbm>>
      tpu.enqueue_dma source(%arg6 : memref<320x32xf32, #tpu.memory_space<vmem>>) target(%dma_start3A_11 : memref<320x32xf32, #tpu.memory_space<hbm>>) target_semaphore(%run_scoped3A : memref<!tpu.dma_semaphore, #tpu.memory_space<semaphore_mem>>)
      %dma_wait3A_12 = arith.constant 0 : i32
      %dma_wait3A_13 = tpu.memref_slice %arg4[%min3A_3, %dma_wait3A_12] : memref<10000x32xf32, #tpu.memory_space<hbm>> -> memref<320x32xf32, #tpu.memory_space<hbm>>
      %dma_wait3A_14 = arith.constant 0 : i32
      %dma_wait3A_15 = tpu.memref_slice %arg4[%min3A_3, %dma_wait3A_14] : memref<10000x32xf32, #tpu.memory_space<hbm>> -> memref<320x32xf32, #tpu.memory_space<hbm>>
      tpu.wait_dma2 semaphore(%run_scoped3A : memref<!tpu.dma_semaphore, #tpu.memory_space<semaphore_mem>>) src(%arg6 : memref<320x32xf32, #tpu.memory_space<vmem>>) dst(%dma_wait3A_15 : memref<320x32xf32, #tpu.memory_space<hbm>>)
      tpu.yield
    }) : () -> ()
    return
  }
}

#map = affine_map<(d0, d1) -> (0, 0)>
#map1 = affine_map<(d0, d1) -> (0)>
module attributes {stable_mosaic.version = 14 : i64} {
  func.func @_edge_agg(%arg0: i32, %arg1: i32, %arg2: memref<80000x32xf32, #tpu.memory_space<hbm>>, %arg3: memref<160000xi32, #tpu.memory_space<hbm>>, %arg4: memref<160000xi32, #tpu.memory_space<hbm>>, %arg5: memref<10000x32xf32, #tpu.memory_space<hbm>>, %arg6: memref<20000x32xf32, #tpu.memory_space<hbm>>, %arg7: memref<5000xi32, #tpu.memory_space<vmem>>, %arg8: memref<5000xi32, #tpu.memory_space<vmem>>, %arg9: memref<1000x32xf32, #tpu.memory_space<vmem>>, %arg10: memref<1000x32xf32, #tpu.memory_space<vmem>>, %arg11: memref<10000x32xf32, #tpu.memory_space<vmem_shared>>, %arg12: memref<!tpu.dma_semaphore, #tpu.memory_space<semaphore_mem>>, %arg13: memref<!tpu.dma_semaphore, #tpu.memory_space<semaphore_mem>>, %arg14: memref<!tpu.dma_semaphore, #tpu.memory_space<semaphore_mem>>, %arg15: memref<!tpu.dma_semaphore, #tpu.memory_space<semaphore_mem>>) attributes {dimension_semantics = [#tpu.dimension_semantics<core_parallel>, #tpu.dimension_semantics<subcore_parallel>], iteration_bounds = array<i64: 2, 16>, scalar_prefetch = 0 : i64, scratch_operands = 9 : i64, tpu.core_type = #tpu.core_type<sc_vector_subcore>, window_params = [{transform_indices = #map}, {transform_indices = #map1}, {transform_indices = #map1}, {transform_indices = #map}, {transform_indices = #map}]} {
    %mul3A = arith.constant 16 : i32
    %mul3A_0 = arith.muli %arg0, %mul3A : i32
    %add3A = arith.addi %mul3A_0, %arg1 : i32
    %mul3A_1 = arith.constant 5000 : i32
    %mul3A_2 = arith.muli %add3A, %mul3A_1 : i32
    "tpu.region"() ({
      %run_scoped3A = tpu.sem_alloc : memref<!tpu.dma_semaphore, #tpu.memory_space<semaphore_mem>>
      %dma_start3A_113 = tpu.memref_slice %arg3[%mul3A_2] : memref<160000xi32, #tpu.memory_space<hbm>> -> memref<5000xi32, #tpu.memory_space<hbm>>
      %dma_start3A_114 = tpu.memref_slice %arg3[%mul3A_2] : memref<160000xi32, #tpu.memory_space<hbm>> -> memref<5000xi32, #tpu.memory_space<hbm>>
      tpu.enqueue_dma source(%dma_start3A_114 : memref<5000xi32, #tpu.memory_space<hbm>>) target(%arg7 : memref<5000xi32, #tpu.memory_space<vmem>>) target_semaphore(%run_scoped3A : memref<!tpu.dma_semaphore, #tpu.memory_space<semaphore_mem>>)
      %dma_wait3A_115 = tpu.memref_slice %arg3[%mul3A_2] : memref<160000xi32, #tpu.memory_space<hbm>> -> memref<5000xi32, #tpu.memory_space<hbm>>
      %dma_wait3A_116 = tpu.memref_slice %arg3[%mul3A_2] : memref<160000xi32, #tpu.memory_space<hbm>> -> memref<5000xi32, #tpu.memory_space<hbm>>
      tpu.wait_dma2 semaphore(%run_scoped3A : memref<!tpu.dma_semaphore, #tpu.memory_space<semaphore_mem>>) src(%dma_wait3A_116 : memref<5000xi32, #tpu.memory_space<hbm>>) dst(%arg7 : memref<5000xi32, #tpu.memory_space<vmem>>)
      tpu.yield
    }) : () -> ()
    "tpu.region"() ({
      %run_scoped3A = tpu.sem_alloc : memref<!tpu.dma_semaphore, #tpu.memory_space<semaphore_mem>>
      %dma_start3A_113 = tpu.memref_slice %arg4[%mul3A_2] : memref<160000xi32, #tpu.memory_space<hbm>> -> memref<5000xi32, #tpu.memory_space<hbm>>
      %dma_start3A_114 = tpu.memref_slice %arg4[%mul3A_2] : memref<160000xi32, #tpu.memory_space<hbm>> -> memref<5000xi32, #tpu.memory_space<hbm>>
      tpu.enqueue_dma source(%dma_start3A_114 : memref<5000xi32, #tpu.memory_space<hbm>>) target(%arg8 : memref<5000xi32, #tpu.memory_space<vmem>>) target_semaphore(%run_scoped3A : memref<!tpu.dma_semaphore, #tpu.memory_space<semaphore_mem>>)
      %dma_wait3A_115 = tpu.memref_slice %arg4[%mul3A_2] : memref<160000xi32, #tpu.memory_space<hbm>> -> memref<5000xi32, #tpu.memory_space<hbm>>
      %dma_wait3A_116 = tpu.memref_slice %arg4[%mul3A_2] : memref<160000xi32, #tpu.memory_space<hbm>> -> memref<5000xi32, #tpu.memory_space<hbm>>
      tpu.wait_dma2 semaphore(%run_scoped3A : memref<!tpu.dma_semaphore, #tpu.memory_space<semaphore_mem>>) src(%dma_wait3A_116 : memref<5000xi32, #tpu.memory_space<hbm>>) dst(%arg8 : memref<5000xi32, #tpu.memory_space<vmem>>)
      tpu.yield
    }) : () -> ()
    %dma_start3A = arith.constant 0 : i32
    %dma_start3A_3 = tpu.memref_slice %arg7[%dma_start3A] : memref<5000xi32, #tpu.memory_space<vmem>> -> memref<1000xi32, #tpu.memory_space<vmem>>
    %dma_start3A_4 = arith.constant 0 : i32
    %dma_start3A_5 = arith.constant 0 : i32
    %dma_start3A_6 = tpu.memref_slice %arg2[%dma_start3A_4, %dma_start3A_5] : memref<80000x32xf32, #tpu.memory_space<hbm>> -> memref<80000x32xf32, #tpu.memory_space<hbm>>
    tpu.enqueue_indirect_dma source(%dma_start3A_6 : memref<80000x32xf32, #tpu.memory_space<hbm>>) target(%arg9 : memref<1000x32xf32, #tpu.memory_space<vmem>>) offsets(%dma_start3A_3 : memref<1000xi32, #tpu.memory_space<vmem>>) semaphore(%arg12 : memref<!tpu.dma_semaphore, #tpu.memory_space<semaphore_mem>>)
    %dma_start3A_7 = arith.constant 1000 : i32
    %dma_start3A_8 = tpu.memref_slice %arg7[%dma_start3A_7] : memref<5000xi32, #tpu.memory_space<vmem>> -> memref<1000xi32, #tpu.memory_space<vmem>>
    %dma_start3A_9 = arith.constant 0 : i32
    %dma_start3A_10 = arith.constant 0 : i32
    %dma_start3A_11 = tpu.memref_slice %arg2[%dma_start3A_9, %dma_start3A_10] : memref<80000x32xf32, #tpu.memory_space<hbm>> -> memref<80000x32xf32, #tpu.memory_space<hbm>>
    tpu.enqueue_indirect_dma source(%dma_start3A_11 : memref<80000x32xf32, #tpu.memory_space<hbm>>) target(%arg10 : memref<1000x32xf32, #tpu.memory_space<vmem>>) offsets(%dma_start3A_8 : memref<1000xi32, #tpu.memory_space<vmem>>) semaphore(%arg13 : memref<!tpu.dma_semaphore, #tpu.memory_space<semaphore_mem>>)
    %mul3A_12 = arith.constant 625 : i32
    %mul3A_13 = arith.muli %arg1, %mul3A_12 : i32
    %mul3A_14 = arith.constant 625 : i32
    %mul3A_15 = arith.muli %arg1, %mul3A_14 : i32
    "tpu.region"() ({
      %run_scoped3A = tpu.sem_alloc : memref<!tpu.dma_semaphore, #tpu.memory_space<semaphore_mem>>
      %dma_start3A_113 = arith.constant 0 : i32
      %dma_start3A_114 = tpu.memref_slice %arg11[%mul3A_15, %dma_start3A_113] : memref<10000x32xf32, #tpu.memory_space<vmem_shared>> -> memref<625x32xf32, #tpu.memory_space<vmem_shared>>
      %dma_start3A_115 = arith.constant 0 : i32
      %dma_start3A_116 = tpu.memref_slice %arg5[%mul3A_13, %dma_start3A_115] : memref<10000x32xf32, #tpu.memory_space<hbm>> -> memref<625x32xf32, #tpu.memory_space<hbm>>
      tpu.enqueue_dma source(%dma_start3A_116 : memref<625x32xf32, #tpu.memory_space<hbm>>) target(%dma_start3A_114 : memref<625x32xf32, #tpu.memory_space<vmem_shared>>) target_semaphore(%run_scoped3A : memref<!tpu.dma_semaphore, #tpu.memory_space<semaphore_mem>>)
      %dma_wait3A_117 = arith.constant 0 : i32
      %dma_wait3A_118 = tpu.memref_slice %arg11[%mul3A_15, %dma_wait3A_117] : memref<10000x32xf32, #tpu.memory_space<vmem_shared>> -> memref<625x32xf32, #tpu.memory_space<vmem_shared>>
      %dma_wait3A_119 = arith.constant 0 : i32
      %dma_wait3A_120 = tpu.memref_slice %arg5[%mul3A_13, %dma_wait3A_119] : memref<10000x32xf32, #tpu.memory_space<hbm>> -> memref<625x32xf32, #tpu.memory_space<hbm>>
      tpu.wait_dma2 semaphore(%run_scoped3A : memref<!tpu.dma_semaphore, #tpu.memory_space<semaphore_mem>>) src(%dma_wait3A_120 : memref<625x32xf32, #tpu.memory_space<hbm>>) dst(%dma_wait3A_118 : memref<625x32xf32, #tpu.memory_space<vmem_shared>>)
      tpu.yield
    }) : () -> ()
    %barrier3A = arith.constant 0 : index
    tpu.barrier barrier_id(%barrier3A)
    %dma_wait3A = arith.constant 0 : i32
    %dma_wait3A_16 = tpu.memref_slice %arg7[%dma_wait3A] : memref<5000xi32, #tpu.memory_space<vmem>> -> memref<1000xi32, #tpu.memory_space<vmem>>
    %dma_wait3A_17 = arith.constant 0 : i32
    %dma_wait3A_18 = arith.constant 0 : i32
    %dma_wait3A_19 = tpu.memref_slice %arg2[%dma_wait3A_17, %dma_wait3A_18] : memref<80000x32xf32, #tpu.memory_space<hbm>> -> memref<80000x32xf32, #tpu.memory_space<hbm>>
    tpu.wait_indirect_dma semaphore(%arg12 : memref<!tpu.dma_semaphore, #tpu.memory_space<semaphore_mem>>) src(%dma_wait3A_19 : memref<80000x32xf32, #tpu.memory_space<hbm>>) dst(%arg9 : memref<1000x32xf32, #tpu.memory_space<vmem>>)
    %dma_start3A_20 = arith.constant 0 : i32
    %dma_start3A_21 = tpu.memref_slice %arg8[%dma_start3A_20] : memref<5000xi32, #tpu.memory_space<vmem>> -> memref<1000xi32, #tpu.memory_space<vmem>>
    %dma_start3A_22 = arith.constant 0 : i32
    %dma_start3A_23 = arith.constant 0 : i32
    %dma_start3A_24 = tpu.memref_slice %arg11[%dma_start3A_22, %dma_start3A_23] : memref<10000x32xf32, #tpu.memory_space<vmem_shared>> -> memref<10000x32xf32, #tpu.memory_space<vmem_shared>>
    tpu.enqueue_indirect_dma source(%arg9 : memref<1000x32xf32, #tpu.memory_space<vmem>>) target(%dma_start3A_24 : memref<10000x32xf32, #tpu.memory_space<vmem_shared>>) offsets(%dma_start3A_21 : memref<1000xi32, #tpu.memory_space<vmem>>) semaphore(%arg14 : memref<!tpu.dma_semaphore, #tpu.memory_space<semaphore_mem>>) {add = true}
    %dma_wait3A_25 = arith.constant 0 : i32
    %dma_wait3A_26 = tpu.memref_slice %arg8[%dma_wait3A_25] : memref<5000xi32, #tpu.memory_space<vmem>> -> memref<1000xi32, #tpu.memory_space<vmem>>
    %dma_wait3A_27 = arith.constant 0 : i32
    %dma_wait3A_28 = arith.constant 0 : i32
    %dma_wait3A_29 = tpu.memref_slice %arg11[%dma_wait3A_27, %dma_wait3A_28] : memref<10000x32xf32, #tpu.memory_space<vmem_shared>> -> memref<10000x32xf32, #tpu.memory_space<vmem_shared>>
    tpu.wait_indirect_dma semaphore(%arg14 : memref<!tpu.dma_semaphore, #tpu.memory_space<semaphore_mem>>) src(%arg9 : memref<1000x32xf32, #tpu.memory_space<vmem>>) dst(%dma_wait3A_29 : memref<10000x32xf32, #tpu.memory_space<vmem_shared>>)
    %dma_start3A_30 = arith.constant 2000 : i32
    %dma_start3A_31 = tpu.memref_slice %arg7[%dma_start3A_30] : memref<5000xi32, #tpu.memory_space<vmem>> -> memref<1000xi32, #tpu.memory_space<vmem>>
    %dma_start3A_32 = arith.constant 0 : i32
    %dma_start3A_33 = arith.constant 0 : i32
    %dma_start3A_34 = tpu.memref_slice %arg2[%dma_start3A_32, %dma_start3A_33] : memref<80000x32xf32, #tpu.memory_space<hbm>> -> memref<80000x32xf32, #tpu.memory_space<hbm>>
    tpu.enqueue_indirect_dma source(%dma_start3A_34 : memref<80000x32xf32, #tpu.memory_space<hbm>>) target(%arg9 : memref<1000x32xf32, #tpu.memory_space<vmem>>) offsets(%dma_start3A_31 : memref<1000xi32, #tpu.memory_space<vmem>>) semaphore(%arg12 : memref<!tpu.dma_semaphore, #tpu.memory_space<semaphore_mem>>)
    %dma_wait3A_35 = arith.constant 1000 : i32
    %dma_wait3A_36 = tpu.memref_slice %arg7[%dma_wait3A_35] : memref<5000xi32, #tpu.memory_space<vmem>> -> memref<1000xi32, #tpu.memory_space<vmem>>
    %dma_wait3A_37 = arith.constant 0 : i32
    %dma_wait3A_38 = arith.constant 0 : i32
    %dma_wait3A_39 = tpu.memref_slice %arg2[%dma_wait3A_37, %dma_wait3A_38] : memref<80000x32xf32, #tpu.memory_space<hbm>> -> memref<80000x32xf32, #tpu.memory_space<hbm>>
    tpu.wait_indirect_dma semaphore(%arg13 : memref<!tpu.dma_semaphore, #tpu.memory_space<semaphore_mem>>) src(%dma_wait3A_39 : memref<80000x32xf32, #tpu.memory_space<hbm>>) dst(%arg10 : memref<1000x32xf32, #tpu.memory_space<vmem>>)
    %dma_start3A_40 = arith.constant 1000 : i32
    %dma_start3A_41 = tpu.memref_slice %arg8[%dma_start3A_40] : memref<5000xi32, #tpu.memory_space<vmem>> -> memref<1000xi32, #tpu.memory_space<vmem>>
    %dma_start3A_42 = arith.constant 0 : i32
    %dma_start3A_43 = arith.constant 0 : i32
    %dma_start3A_44 = tpu.memref_slice %arg11[%dma_start3A_42, %dma_start3A_43] : memref<10000x32xf32, #tpu.memory_space<vmem_shared>> -> memref<10000x32xf32, #tpu.memory_space<vmem_shared>>
    tpu.enqueue_indirect_dma source(%arg10 : memref<1000x32xf32, #tpu.memory_space<vmem>>) target(%dma_start3A_44 : memref<10000x32xf32, #tpu.memory_space<vmem_shared>>) offsets(%dma_start3A_41 : memref<1000xi32, #tpu.memory_space<vmem>>) semaphore(%arg15 : memref<!tpu.dma_semaphore, #tpu.memory_space<semaphore_mem>>) {add = true}
    %dma_wait3A_45 = arith.constant 1000 : i32
    %dma_wait3A_46 = tpu.memref_slice %arg8[%dma_wait3A_45] : memref<5000xi32, #tpu.memory_space<vmem>> -> memref<1000xi32, #tpu.memory_space<vmem>>
    %dma_wait3A_47 = arith.constant 0 : i32
    %dma_wait3A_48 = arith.constant 0 : i32
    %dma_wait3A_49 = tpu.memref_slice %arg11[%dma_wait3A_47, %dma_wait3A_48] : memref<10000x32xf32, #tpu.memory_space<vmem_shared>> -> memref<10000x32xf32, #tpu.memory_space<vmem_shared>>
    tpu.wait_indirect_dma semaphore(%arg15 : memref<!tpu.dma_semaphore, #tpu.memory_space<semaphore_mem>>) src(%arg10 : memref<1000x32xf32, #tpu.memory_space<vmem>>) dst(%dma_wait3A_49 : memref<10000x32xf32, #tpu.memory_space<vmem_shared>>)
    %dma_start3A_50 = arith.constant 3000 : i32
    %dma_start3A_51 = tpu.memref_slice %arg7[%dma_start3A_50] : memref<5000xi32, #tpu.memory_space<vmem>> -> memref<1000xi32, #tpu.memory_space<vmem>>
    %dma_start3A_52 = arith.constant 0 : i32
    %dma_start3A_53 = arith.constant 0 : i32
    %dma_start3A_54 = tpu.memref_slice %arg2[%dma_start3A_52, %dma_start3A_53] : memref<80000x32xf32, #tpu.memory_space<hbm>> -> memref<80000x32xf32, #tpu.memory_space<hbm>>
    tpu.enqueue_indirect_dma source(%dma_start3A_54 : memref<80000x32xf32, #tpu.memory_space<hbm>>) target(%arg10 : memref<1000x32xf32, #tpu.memory_space<vmem>>) offsets(%dma_start3A_51 : memref<1000xi32, #tpu.memory_space<vmem>>) semaphore(%arg13 : memref<!tpu.dma_semaphore, #tpu.memory_space<semaphore_mem>>)
    %dma_wait3A_55 = arith.constant 2000 : i32
    %dma_wait3A_56 = tpu.memref_slice %arg7[%dma_wait3A_55] : memref<5000xi32, #tpu.memory_space<vmem>> -> memref<1000xi32, #tpu.memory_space<vmem>>
    %dma_wait3A_57 = arith.constant 0 : i32
    %dma_wait3A_58 = arith.constant 0 : i32
    %dma_wait3A_59 = tpu.memref_slice %arg2[%dma_wait3A_57, %dma_wait3A_58] : memref<80000x32xf32, #tpu.memory_space<hbm>> -> memref<80000x32xf32, #tpu.memory_space<hbm>>
    tpu.wait_indirect_dma semaphore(%arg12 : memref<!tpu.dma_semaphore, #tpu.memory_space<semaphore_mem>>) src(%dma_wait3A_59 : memref<80000x32xf32, #tpu.memory_space<hbm>>) dst(%arg9 : memref<1000x32xf32, #tpu.memory_space<vmem>>)
    %dma_start3A_60 = arith.constant 2000 : i32
    %dma_start3A_61 = tpu.memref_slice %arg8[%dma_start3A_60] : memref<5000xi32, #tpu.memory_space<vmem>> -> memref<1000xi32, #tpu.memory_space<vmem>>
    %dma_start3A_62 = arith.constant 0 : i32
    %dma_start3A_63 = arith.constant 0 : i32
    %dma_start3A_64 = tpu.memref_slice %arg11[%dma_start3A_62, %dma_start3A_63] : memref<10000x32xf32, #tpu.memory_space<vmem_shared>> -> memref<10000x32xf32, #tpu.memory_space<vmem_shared>>
    tpu.enqueue_indirect_dma source(%arg9 : memref<1000x32xf32, #tpu.memory_space<vmem>>) target(%dma_start3A_64 : memref<10000x32xf32, #tpu.memory_space<vmem_shared>>) offsets(%dma_start3A_61 : memref<1000xi32, #tpu.memory_space<vmem>>) semaphore(%arg14 : memref<!tpu.dma_semaphore, #tpu.memory_space<semaphore_mem>>) {add = true}
    %dma_wait3A_65 = arith.constant 2000 : i32
    %dma_wait3A_66 = tpu.memref_slice %arg8[%dma_wait3A_65] : memref<5000xi32, #tpu.memory_space<vmem>> -> memref<1000xi32, #tpu.memory_space<vmem>>
    %dma_wait3A_67 = arith.constant 0 : i32
    %dma_wait3A_68 = arith.constant 0 : i32
    %dma_wait3A_69 = tpu.memref_slice %arg11[%dma_wait3A_67, %dma_wait3A_68] : memref<10000x32xf32, #tpu.memory_space<vmem_shared>> -> memref<10000x32xf32, #tpu.memory_space<vmem_shared>>
    tpu.wait_indirect_dma semaphore(%arg14 : memref<!tpu.dma_semaphore, #tpu.memory_space<semaphore_mem>>) src(%arg9 : memref<1000x32xf32, #tpu.memory_space<vmem>>) dst(%dma_wait3A_69 : memref<10000x32xf32, #tpu.memory_space<vmem_shared>>)
    %dma_start3A_70 = arith.constant 4000 : i32
    %dma_start3A_71 = tpu.memref_slice %arg7[%dma_start3A_70] : memref<5000xi32, #tpu.memory_space<vmem>> -> memref<1000xi32, #tpu.memory_space<vmem>>
    %dma_start3A_72 = arith.constant 0 : i32
    %dma_start3A_73 = arith.constant 0 : i32
    %dma_start3A_74 = tpu.memref_slice %arg2[%dma_start3A_72, %dma_start3A_73] : memref<80000x32xf32, #tpu.memory_space<hbm>> -> memref<80000x32xf32, #tpu.memory_space<hbm>>
    tpu.enqueue_indirect_dma source(%dma_start3A_74 : memref<80000x32xf32, #tpu.memory_space<hbm>>) target(%arg9 : memref<1000x32xf32, #tpu.memory_space<vmem>>) offsets(%dma_start3A_71 : memref<1000xi32, #tpu.memory_space<vmem>>) semaphore(%arg12 : memref<!tpu.dma_semaphore, #tpu.memory_space<semaphore_mem>>)
    %dma_wait3A_75 = arith.constant 3000 : i32
    %dma_wait3A_76 = tpu.memref_slice %arg7[%dma_wait3A_75] : memref<5000xi32, #tpu.memory_space<vmem>> -> memref<1000xi32, #tpu.memory_space<vmem>>
    %dma_wait3A_77 = arith.constant 0 : i32
    %dma_wait3A_78 = arith.constant 0 : i32
    %dma_wait3A_79 = tpu.memref_slice %arg2[%dma_wait3A_77, %dma_wait3A_78] : memref<80000x32xf32, #tpu.memory_space<hbm>> -> memref<80000x32xf32, #tpu.memory_space<hbm>>
    tpu.wait_indirect_dma semaphore(%arg13 : memref<!tpu.dma_semaphore, #tpu.memory_space<semaphore_mem>>) src(%dma_wait3A_79 : memref<80000x32xf32, #tpu.memory_space<hbm>>) dst(%arg10 : memref<1000x32xf32, #tpu.memory_space<vmem>>)
    %dma_start3A_80 = arith.constant 3000 : i32
    %dma_start3A_81 = tpu.memref_slice %arg8[%dma_start3A_80] : memref<5000xi32, #tpu.memory_space<vmem>> -> memref<1000xi32, #tpu.memory_space<vmem>>
    %dma_start3A_82 = arith.constant 0 : i32
    %dma_start3A_83 = arith.constant 0 : i32
    %dma_start3A_84 = tpu.memref_slice %arg11[%dma_start3A_82, %dma_start3A_83] : memref<10000x32xf32, #tpu.memory_space<vmem_shared>> -> memref<10000x32xf32, #tpu.memory_space<vmem_shared>>
    tpu.enqueue_indirect_dma source(%arg10 : memref<1000x32xf32, #tpu.memory_space<vmem>>) target(%dma_start3A_84 : memref<10000x32xf32, #tpu.memory_space<vmem_shared>>) offsets(%dma_start3A_81 : memref<1000xi32, #tpu.memory_space<vmem>>) semaphore(%arg15 : memref<!tpu.dma_semaphore, #tpu.memory_space<semaphore_mem>>) {add = true}
    %dma_wait3A_85 = arith.constant 4000 : i32
    %dma_wait3A_86 = tpu.memref_slice %arg7[%dma_wait3A_85] : memref<5000xi32, #tpu.memory_space<vmem>> -> memref<1000xi32, #tpu.memory_space<vmem>>
    %dma_wait3A_87 = arith.constant 0 : i32
    %dma_wait3A_88 = arith.constant 0 : i32
    %dma_wait3A_89 = tpu.memref_slice %arg2[%dma_wait3A_87, %dma_wait3A_88] : memref<80000x32xf32, #tpu.memory_space<hbm>> -> memref<80000x32xf32, #tpu.memory_space<hbm>>
    tpu.wait_indirect_dma semaphore(%arg12 : memref<!tpu.dma_semaphore, #tpu.memory_space<semaphore_mem>>) src(%dma_wait3A_89 : memref<80000x32xf32, #tpu.memory_space<hbm>>) dst(%arg9 : memref<1000x32xf32, #tpu.memory_space<vmem>>)
    %dma_start3A_90 = arith.constant 4000 : i32
    %dma_start3A_91 = tpu.memref_slice %arg8[%dma_start3A_90] : memref<5000xi32, #tpu.memory_space<vmem>> -> memref<1000xi32, #tpu.memory_space<vmem>>
    %dma_start3A_92 = arith.constant 0 : i32
    %dma_start3A_93 = arith.constant 0 : i32
    %dma_start3A_94 = tpu.memref_slice %arg11[%dma_start3A_92, %dma_start3A_93] : memref<10000x32xf32, #tpu.memory_space<vmem_shared>> -> memref<10000x32xf32, #tpu.memory_space<vmem_shared>>
    tpu.enqueue_indirect_dma source(%arg9 : memref<1000x32xf32, #tpu.memory_space<vmem>>) target(%dma_start3A_94 : memref<10000x32xf32, #tpu.memory_space<vmem_shared>>) offsets(%dma_start3A_91 : memref<1000xi32, #tpu.memory_space<vmem>>) semaphore(%arg14 : memref<!tpu.dma_semaphore, #tpu.memory_space<semaphore_mem>>) {add = true}
    %dma_wait3A_95 = arith.constant 3000 : i32
    %dma_wait3A_96 = tpu.memref_slice %arg8[%dma_wait3A_95] : memref<5000xi32, #tpu.memory_space<vmem>> -> memref<1000xi32, #tpu.memory_space<vmem>>
    %dma_wait3A_97 = arith.constant 0 : i32
    %dma_wait3A_98 = arith.constant 0 : i32
    %dma_wait3A_99 = tpu.memref_slice %arg11[%dma_wait3A_97, %dma_wait3A_98] : memref<10000x32xf32, #tpu.memory_space<vmem_shared>> -> memref<10000x32xf32, #tpu.memory_space<vmem_shared>>
    tpu.wait_indirect_dma semaphore(%arg15 : memref<!tpu.dma_semaphore, #tpu.memory_space<semaphore_mem>>) src(%arg10 : memref<1000x32xf32, #tpu.memory_space<vmem>>) dst(%dma_wait3A_99 : memref<10000x32xf32, #tpu.memory_space<vmem_shared>>)
    %dma_wait3A_100 = arith.constant 4000 : i32
    %dma_wait3A_101 = tpu.memref_slice %arg8[%dma_wait3A_100] : memref<5000xi32, #tpu.memory_space<vmem>> -> memref<1000xi32, #tpu.memory_space<vmem>>
    %dma_wait3A_102 = arith.constant 0 : i32
    %dma_wait3A_103 = arith.constant 0 : i32
    %dma_wait3A_104 = tpu.memref_slice %arg11[%dma_wait3A_102, %dma_wait3A_103] : memref<10000x32xf32, #tpu.memory_space<vmem_shared>> -> memref<10000x32xf32, #tpu.memory_space<vmem_shared>>
    tpu.wait_indirect_dma semaphore(%arg14 : memref<!tpu.dma_semaphore, #tpu.memory_space<semaphore_mem>>) src(%arg9 : memref<1000x32xf32, #tpu.memory_space<vmem>>) dst(%dma_wait3A_104 : memref<10000x32xf32, #tpu.memory_space<vmem_shared>>)
    %barrier3A_105 = arith.constant 0 : index
    tpu.barrier barrier_id(%barrier3A_105)
    %mul3A_106 = arith.constant 625 : i32
    %mul3A_107 = arith.muli %arg1, %mul3A_106 : i32
    %mul3A_108 = arith.constant 10000 : i32
    %mul3A_109 = arith.muli %arg0, %mul3A_108 : i32
    %mul3A_110 = arith.constant 625 : i32
    %mul3A_111 = arith.muli %arg1, %mul3A_110 : i32
    %add3A_112 = arith.addi %mul3A_109, %mul3A_111 : i32
    "tpu.region"() ({
      %run_scoped3A = tpu.sem_alloc : memref<!tpu.dma_semaphore, #tpu.memory_space<semaphore_mem>>
      %dma_start3A_113 = arith.constant 0 : i32
      %dma_start3A_114 = tpu.memref_slice %arg6[%add3A_112, %dma_start3A_113] : memref<20000x32xf32, #tpu.memory_space<hbm>> -> memref<625x32xf32, #tpu.memory_space<hbm>>
      %dma_start3A_115 = arith.constant 0 : i32
      %dma_start3A_116 = tpu.memref_slice %arg11[%mul3A_107, %dma_start3A_115] : memref<10000x32xf32, #tpu.memory_space<vmem_shared>> -> memref<625x32xf32, #tpu.memory_space<vmem_shared>>
      tpu.enqueue_dma source(%dma_start3A_116 : memref<625x32xf32, #tpu.memory_space<vmem_shared>>) target(%dma_start3A_114 : memref<625x32xf32, #tpu.memory_space<hbm>>) target_semaphore(%run_scoped3A : memref<!tpu.dma_semaphore, #tpu.memory_space<semaphore_mem>>)
      %dma_wait3A_117 = arith.constant 0 : i32
      %dma_wait3A_118 = tpu.memref_slice %arg6[%add3A_112, %dma_wait3A_117] : memref<20000x32xf32, #tpu.memory_space<hbm>> -> memref<625x32xf32, #tpu.memory_space<hbm>>
      %dma_wait3A_119 = arith.constant 0 : i32
      %dma_wait3A_120 = tpu.memref_slice %arg11[%mul3A_107, %dma_wait3A_119] : memref<10000x32xf32, #tpu.memory_space<vmem_shared>> -> memref<625x32xf32, #tpu.memory_space<vmem_shared>>
      tpu.wait_dma2 semaphore(%run_scoped3A : memref<!tpu.dma_semaphore, #tpu.memory_space<semaphore_mem>>) src(%dma_wait3A_120 : memref<625x32xf32, #tpu.memory_space<vmem_shared>>) dst(%dma_wait3A_118 : memref<625x32xf32, #tpu.memory_space<hbm>>)
      tpu.yield
    }) : () -> ()
    return
  }
}

module attributes {stable_mosaic.version = 14 : i64} {
  func.func @_dense_body(%arg0: i32, %arg1: memref<2000x128xf32, #tpu.memory_space<vmem>>, %arg2: memref<2000x32xf32, #tpu.memory_space<vmem>>, %arg3: memref<160x32xf32, #tpu.memory_space<vmem>>, %arg4: memref<4x32x32xf32, #tpu.memory_space<vmem>>, %arg5: memref<8x4xf32, #tpu.memory_space<vmem>>, %arg6: memref<32x32xf32, #tpu.memory_space<vmem>>, %arg7: memref<2000x256xf32, #tpu.memory_space<vmem>>, %arg8: memref<2000x64xf32, #tpu.memory_space<vmem>>) attributes {dimension_semantics = [#tpu.dimension_semantics<arbitrary>], iteration_bounds = array<i64: 5>, scalar_prefetch = 0 : i64, scratch_operands = 0 : i64, tpu.core_type = #tpu.core_type<tc>, window_params = [{transform_indices = @transform_0, window_bounds = array<i64: 2000, 128>}, {transform_indices = @transform_1, window_bounds = array<i64: 2000, 32>}, {pipeline_mode = #tpu.pipeline_mode<synchronous>, transform_indices = @transform_2, window_bounds = array<i64: 160, 32>}, {pipeline_mode = #tpu.pipeline_mode<synchronous>, transform_indices = @transform_3, window_bounds = array<i64: 4, 32, 32>}, {pipeline_mode = #tpu.pipeline_mode<synchronous>, transform_indices = @transform_4, window_bounds = array<i64: 8, 4>}, {pipeline_mode = #tpu.pipeline_mode<synchronous>, transform_indices = @transform_5, window_bounds = array<i64: 32, 32>}, {transform_indices = @transform_6, window_bounds = array<i64: 2000, 256>}, {transform_indices = @transform_7, window_bounds = array<i64: 2000, 64>}]} {
    %get3A = arith.constant 0 : index
    %get3A_0 = arith.constant 0 : index
    %get3A_1 = vector.load %arg3[%get3A, %get3A_0] : memref<160x32xf32, #tpu.memory_space<vmem>>, vector<128x32xf32>
    %get3A_2 = arith.constant 128 : index
    %get3A_3 = arith.constant 0 : index
    %get3A_4 = vector.load %arg3[%get3A_2, %get3A_3] : memref<160x32xf32, #tpu.memory_space<vmem>>, vector<32x32xf32>
    %get3A_5 = arith.constant 0 : index
    %get3A_6 = arith.constant 0 : index
    %get3A_7 = vector.load %arg1[%get3A_5, %get3A_6] : memref<2000x128xf32, #tpu.memory_space<vmem>>, vector<2000x128xf32>
    %dot_general3A = arith.constant dense<0.000000e+00> : vector<2000x32xf32>
    %dot_general3A_8 = tpu.matmul %get3A_7, %get3A_1, %dot_general3A {dimension_numbers = #tpu.dot_dimension_numbers<[1], [0], [0], [1], [0, 0, 1, 1], [], []>, transpose_lhs_hint = false} : vector<2000x128xf32>, vector<128x32xf32>, vector<2000x32xf32> -> vector<2000x32xf32>
    %get3A_9 = arith.constant 0 : index
    %get3A_10 = arith.constant 0 : index
    %get3A_11 = vector.load %arg2[%get3A_9, %get3A_10] : memref<2000x32xf32, #tpu.memory_space<vmem>>, vector<2000x32xf32>
    %dot_general3A_12 = arith.constant dense<0.000000e+00> : vector<2000x32xf32>
    %dot_general3A_13 = tpu.matmul %get3A_11, %get3A_4, %dot_general3A_12 {dimension_numbers = #tpu.dot_dimension_numbers<[1], [0], [0], [1], [0, 0, 1, 1], [], []>, transpose_lhs_hint = false} : vector<2000x32xf32>, vector<32x32xf32>, vector<2000x32xf32> -> vector<2000x32xf32>
    %add3A = arith.addf %dot_general3A_8, %dot_general3A_13 : vector<2000x32xf32>
    %get3A_14 = arith.constant 0 : index
    %get3A_15 = arith.constant 0 : index
    %get3A_16 = vector.load %arg5[%get3A_14, %get3A_15] : memref<8x4xf32, #tpu.memory_space<vmem>>, vector<8x4xf32>
    %broadcast_in_dim3A = vector.shape_cast %get3A_16 : vector<8x4xf32> to vector<8x4x1x1xf32>
    %get3A_17 = arith.constant 0 : index
    %get3A_18 = arith.constant 0 : index
    %get3A_19 = arith.constant 0 : index
    %get3A_20 = vector.load %arg4[%get3A_17, %get3A_18, %get3A_19] : memref<4x32x32xf32, #tpu.memory_space<vmem>>, vector<4x32x32xf32>
    %broadcast_in_dim3A_21 = vector.shape_cast %get3A_20 : vector<4x32x32xf32> to vector<1x4x32x32xf32>
    %mul3A = vector.broadcast %broadcast_in_dim3A : vector<8x4x1x1xf32> to vector<8x4x32x32xf32>
    %mul3A_22 = vector.broadcast %broadcast_in_dim3A_21 : vector<1x4x32x32xf32> to vector<8x4x32x32xf32>
    %mul3A_23 = arith.mulf %mul3A, %mul3A_22 : vector<8x4x32x32xf32>
    %reduce_sum3A = arith.constant dense<0.000000e+00> : vector<8x32x32xf32>
    %reduce_sum3A_24 = vector.multi_reduction <add>, %mul3A_23, %reduce_sum3A [1] : vector<8x4x32x32xf32> to vector<8x32x32xf32>
    %slice3A = vector.extract_strided_slice %reduce_sum3A_24 {offsets = [0, 0, 0], sizes = [1, 32, 32], strides = [1, 1, 1]} : vector<8x32x32xf32> to vector<1x32x32xf32>
    %squeeze3A = vector.shape_cast %slice3A : vector<1x32x32xf32> to vector<32x32xf32>
    %slice3A_25 = vector.extract_strided_slice %reduce_sum3A_24 {offsets = [1, 0, 0], sizes = [1, 32, 32], strides = [1, 1, 1]} : vector<8x32x32xf32> to vector<1x32x32xf32>
    %squeeze3A_26 = vector.shape_cast %slice3A_25 : vector<1x32x32xf32> to vector<32x32xf32>
    %slice3A_27 = vector.extract_strided_slice %reduce_sum3A_24 {offsets = [2, 0, 0], sizes = [1, 32, 32], strides = [1, 1, 1]} : vector<8x32x32xf32> to vector<1x32x32xf32>
    %squeeze3A_28 = vector.shape_cast %slice3A_27 : vector<1x32x32xf32> to vector<32x32xf32>
    %slice3A_29 = vector.extract_strided_slice %reduce_sum3A_24 {offsets = [3, 0, 0], sizes = [1, 32, 32], strides = [1, 1, 1]} : vector<8x32x32xf32> to vector<1x32x32xf32>
    %squeeze3A_30 = vector.shape_cast %slice3A_29 : vector<1x32x32xf32> to vector<32x32xf32>
    %slice3A_31 = vector.extract_strided_slice %reduce_sum3A_24 {offsets = [4, 0, 0], sizes = [1, 32, 32], strides = [1, 1, 1]} : vector<8x32x32xf32> to vector<1x32x32xf32>
    %squeeze3A_32 = vector.shape_cast %slice3A_31 : vector<1x32x32xf32> to vector<32x32xf32>
    %slice3A_33 = vector.extract_strided_slice %reduce_sum3A_24 {offsets = [5, 0, 0], sizes = [1, 32, 32], strides = [1, 1, 1]} : vector<8x32x32xf32> to vector<1x32x32xf32>
    %squeeze3A_34 = vector.shape_cast %slice3A_33 : vector<1x32x32xf32> to vector<32x32xf32>
    %slice3A_35 = vector.extract_strided_slice %reduce_sum3A_24 {offsets = [6, 0, 0], sizes = [1, 32, 32], strides = [1, 1, 1]} : vector<8x32x32xf32> to vector<1x32x32xf32>
    %squeeze3A_36 = vector.shape_cast %slice3A_35 : vector<1x32x32xf32> to vector<32x32xf32>
    %slice3A_37 = vector.extract_strided_slice %reduce_sum3A_24 {offsets = [7, 0, 0], sizes = [1, 32, 32], strides = [1, 1, 1]} : vector<8x32x32xf32> to vector<1x32x32xf32>
    %squeeze3A_38 = vector.shape_cast %slice3A_37 : vector<1x32x32xf32> to vector<32x32xf32>
    %concatenate3A = tpu.concatenate %squeeze3A, %squeeze3A_26, %squeeze3A_28, %squeeze3A_30, %squeeze3A_32, %squeeze3A_34, %squeeze3A_36, %squeeze3A_38 in 1 : vector<32x32xf32>, vector<32x32xf32>, vector<32x32xf32>, vector<32x32xf32>, vector<32x32xf32>, vector<32x32xf32>, vector<32x32xf32>, vector<32x32xf32> -> vector<32x256xf32>
    %dot_general3A_39 = arith.constant dense<0.000000e+00> : vector<2000x256xf32>
    %dot_general3A_40 = tpu.matmul %add3A, %concatenate3A, %dot_general3A_39 {dimension_numbers = #tpu.dot_dimension_numbers<[1], [0], [0], [1], [0, 0, 1, 1], [], []>, transpose_lhs_hint = false} : vector<2000x32xf32>, vector<32x256xf32>, vector<2000x256xf32> -> vector<2000x256xf32>
    %swap3A = arith.constant 0 : index
    %swap3A_41 = arith.constant 0 : index
    %swap3A_42 = vector.load %arg7[%swap3A, %swap3A_41] : memref<2000x256xf32, #tpu.memory_space<vmem>>, vector<2000x256xf32>
    tpu.vector_store %arg7[%swap3A, %swap3A_41], %dot_general3A_40 {strides = array<i32>} : memref<2000x256xf32, #tpu.memory_space<vmem>>, vector<2000x256xf32>,
    %get3A_43 = arith.constant 0 : index
    %get3A_44 = arith.constant 0 : index
    %get3A_45 = vector.load %arg6[%get3A_43, %get3A_44] : memref<32x32xf32, #tpu.memory_space<vmem>>, vector<32x32xf32>
    %dot_general3A_46 = arith.constant dense<0.000000e+00> : vector<2000x32xf32>
    %dot_general3A_47 = tpu.matmul %add3A, %get3A_45, %dot_general3A_46 {dimension_numbers = #tpu.dot_dimension_numbers<[1], [0], [0], [1], [0, 0, 1, 1], [], []>, transpose_lhs_hint = false} : vector<2000x32xf32>, vector<32x32xf32>, vector<2000x32xf32> -> vector<2000x32xf32>
    %concatenate3A_48 = tpu.concatenate %add3A, %dot_general3A_47 in 1 : vector<2000x32xf32>, vector<2000x32xf32> -> vector<2000x64xf32>
    %swap3A_49 = arith.constant 0 : index
    %swap3A_50 = arith.constant 0 : index
    %swap3A_51 = vector.load %arg8[%swap3A_49, %swap3A_50] : memref<2000x64xf32, #tpu.memory_space<vmem>>, vector<2000x64xf32>
    tpu.vector_store %arg8[%swap3A_49, %swap3A_50], %concatenate3A_48 {strides = array<i32>} : memref<2000x64xf32, #tpu.memory_space<vmem>>, vector<2000x64xf32>,
    return
  }
  func.func @transform_0(%arg0: i32) -> (i32, i32) {
    %c0_i32 = arith.constant 0 : i32
    %c0_i32_0 = arith.constant 0 : i32
    return %arg0, %c0_i32 : i32, i32
  }
  func.func @transform_1(%arg0: i32) -> (i32, i32) {
    %c0_i32 = arith.constant 0 : i32
    %c0_i32_0 = arith.constant 0 : i32
    return %arg0, %c0_i32 : i32, i32
  }
  func.func @transform_2(%arg0: i32) -> (i32, i32) {
    %c0_i32 = arith.constant 0 : i32
    %c0_i32_0 = arith.constant 0 : i32
    %c0_i32_1 = arith.constant 0 : i32
    return %c0_i32, %c0_i32_0 : i32, i32
  }
  func.func @transform_3(%arg0: i32) -> (i32, i32, i32) {
    %c0_i32 = arith.constant 0 : i32
    %c0_i32_0 = arith.constant 0 : i32
    %c0_i32_1 = arith.constant 0 : i32
    %c0_i32_2 = arith.constant 0 : i32
    return %c0_i32, %c0_i32_0, %c0_i32_1 : i32, i32, i32
  }
  func.func @transform_4(%arg0: i32) -> (i32, i32) {
    %c0_i32 = arith.constant 0 : i32
    %c0_i32_0 = arith.constant 0 : i32
    %c0_i32_1 = arith.constant 0 : i32
    return %c0_i32, %c0_i32_0 : i32, i32
  }
  func.func @transform_5(%arg0: i32) -> (i32, i32) {
    %c0_i32 = arith.constant 0 : i32
    %c0_i32_0 = arith.constant 0 : i32
    %c0_i32_1 = arith.constant 0 : i32
    return %c0_i32, %c0_i32_0 : i32, i32
  }
  func.func @transform_6(%arg0: i32) -> (i32, i32) {
    %c0_i32 = arith.constant 0 : i32
    %c0_i32_0 = arith.constant 0 : i32
    return %arg0, %c0_i32 : i32, i32
  }
  func.func @transform_7(%arg0: i32) -> (i32, i32) {
    %c0_i32 = arith.constant 0 : i32
    %c0_i32_0 = arith.constant 0 : i32
    return %arg0, %c0_i32 : i32, i32
  }
}

module attributes {stable_mosaic.version = 14 : i64} {
  func.func @_assemble_body(%arg0: i32, %arg1: memref<2000x64xf32, #tpu.memory_space<vmem>>, %arg2: memref<2000x32xf32, #tpu.memory_space<vmem>>, %arg3: memref<2000x32xf32, #tpu.memory_space<vmem>>, %arg4: memref<2000x64xf32, #tpu.memory_space<vmem>>) attributes {dimension_semantics = [#tpu.dimension_semantics<arbitrary>], iteration_bounds = array<i64: 5>, scalar_prefetch = 0 : i64, scratch_operands = 0 : i64, tpu.core_type = #tpu.core_type<tc>, window_params = [{transform_indices = @transform_0, window_bounds = array<i64: 2000, 64>}, {transform_indices = @transform_1, window_bounds = array<i64: 2000, 32>}, {transform_indices = @transform_2, window_bounds = array<i64: 2000, 32>}, {transform_indices = @transform_3, window_bounds = array<i64: 2000, 64>}]} {
    %get3A = arith.constant 0 : index
    %get3A_0 = arith.constant 0 : index
    %get3A_1 = vector.load %arg1[%get3A, %get3A_0] : memref<2000x64xf32, #tpu.memory_space<vmem>>, vector<2000x32xf32>
    %swap3A = arith.constant 0 : index
    %swap3A_2 = arith.constant 0 : index
    %swap3A_3 = vector.load %arg4[%swap3A, %swap3A_2] : memref<2000x64xf32, #tpu.memory_space<vmem>>, vector<2000x32xf32>
    tpu.vector_store %arg4[%swap3A, %swap3A_2], %get3A_1 {strides = array<i32>} : memref<2000x64xf32, #tpu.memory_space<vmem>>, vector<2000x32xf32>,
    %get3A_4 = arith.constant 0 : index
    %get3A_5 = arith.constant 32 : index
    %get3A_6 = vector.load %arg1[%get3A_4, %get3A_5] : memref<2000x64xf32, #tpu.memory_space<vmem>>, vector<2000x32xf32>
    %get3A_7 = arith.constant 0 : index
    %get3A_8 = arith.constant 0 : index
    %get3A_9 = vector.load %arg2[%get3A_7, %get3A_8] : memref<2000x32xf32, #tpu.memory_space<vmem>>, vector<2000x32xf32>
    %add3A = arith.addf %get3A_6, %get3A_9 : vector<2000x32xf32>
    %get3A_10 = arith.constant 0 : index
    %get3A_11 = arith.constant 0 : index
    %get3A_12 = vector.load %arg3[%get3A_10, %get3A_11] : memref<2000x32xf32, #tpu.memory_space<vmem>>, vector<2000x32xf32>
    %add3A_13 = arith.addf %add3A, %get3A_12 : vector<2000x32xf32>
    %swap3A_14 = arith.constant 0 : index
    %swap3A_15 = arith.constant 32 : index
    %swap3A_16 = vector.load %arg4[%swap3A_14, %swap3A_15] : memref<2000x64xf32, #tpu.memory_space<vmem>>, vector<2000x32xf32>
    tpu.vector_store %arg4[%swap3A_14, %swap3A_15], %add3A_13 {strides = array<i32>} : memref<2000x64xf32, #tpu.memory_space<vmem>>, vector<2000x32xf32>,
    return
  }
  func.func @transform_0(%arg0: i32) -> (i32, i32) {
    %c0_i32 = arith.constant 0 : i32
    %c0_i32_0 = arith.constant 0 : i32
    return %arg0, %c0_i32 : i32, i32
  }
  func.func @transform_1(%arg0: i32) -> (i32, i32) {
    %c0_i32 = arith.constant 0 : i32
    %c0_i32_0 = arith.constant 0 : i32
    return %arg0, %c0_i32 : i32, i32
  }
  func.func @transform_2(%arg0: i32) -> (i32, i32) {
    %add3A = arith.constant 5 : i32
    %add3A_0 = arith.addi %arg0, %add3A : i32
    %c0_i32 = arith.constant 0 : i32
    %c0_i32_1 = arith.constant 0 : i32
    return %add3A_0, %c0_i32 : i32, i32
  }
  func.func @transform_3(%arg0: i32) -> (i32, i32) {
    %c0_i32 = arith.constant 0 : i32
    %c0_i32_0 = arith.constant 0 : i32
    return %arg0, %c0_i32 : i32, i32
  }
}

</mosaic_0001>

<sc_bundles>
// kernel: kernel.6.cloned.1.call-start
scs
__scs_entry_jumppad:
0x0: {  	(pc) =	sbr.rel $0x88, $3  }
0x1: {  	(tag) =	ssettag $0x0;
	lr =	simm.s32 $0x1  }
0x2: {  	[smem:$0x3F98] =	sst lr;
	_ =	strace $0xD0000000  }
0x3: {  	_ = 	snop  }
0x4: {  	_ = 	snop  }
0x5: {  	_ = 	snop  }
0x6: {  	_ = 	snop  }
0x7: {  	_ = 	snop  }
__scs_overlays_trampoline_lowered:
0x8: {  	[smem:$0x3FA7] =	sst s0  }
0x9: {  	[smem:$0x3FA8] =	sst s1  }
0xa: {  	[smem:$0x3FA9] =	sst s2  }
0xb: {  	[smem:$0x3FAA] =	sst s3  }
0xc: {  	[smem:$0x3FAB] =	sst s4  }
0xd: {  	[smem:$0x3FAC] =	sst s5  }
0xe: {  	[smem:$0x3FAD] =	sst s6  }
0xf: {  	[smem:$0x3FAE] =	sst s7  }
0x10: {  	[smem:$0x3FAF] =	sst s8  }
0x11: {  	[smem:$0x3FB0] =	sst s9;
	s0 =	simm.s32 @!p0 $0x0  }
0x12: {  	s1 =	sld [smem:$0x3F96];
	s0 =	simm.s32 @p0 $0x1  }
0x13: {  	[smem:$0x3FB1] =	sst s0;
	s0 =	simm.s32 @!p1 $0x0  }
0x14: {  	s2 =	sld [smem:$0x3F95];
	s0 =	simm.s32 @p1 $0x1  }
0x15: {  	[smem:$0x3FB2] =	sst s0;
	s0 =	simm.s32 @!p2 $0x0  }
0x16: {  	s3 =	sld [smem:$0x3FDB];
	s0 =	simm.s32 @p2 $0x1  }
0x17: {  	s4 =	simm.s32 $0x1BF5;
	[smem:$0x3FB4] =	sst s0  }
0x18: {  	s0 =	sld [smem:$0x3F97];
	_ =	swait.ge [sflag:s4], $0x0  }
0x19: {  	s7 =	sld [smem:$0x3F98]  }
0x1a: {  	s8 =	sadd.s32 $0xFFFFE003, lr  }
0x1b: {  	s9 =	sadd.s32 $0xFFFFFEF7, lr;
	s5 =	simm.s32 $0xFFFFFFFF;
	p2 =	slt.u32 s8, $0xFFFFF086  }
0x1c: {  	p1 =	slt.u32 s9, $0xF7A;
	s5 =	simm.s32 @!p2 $0x0  }
0x1d: {  	s5 =	simm.s32 @p1 $0x1;
	p0 =	seq.s32 s7, s2  }
0x1e: {  	s7 =	smul.u32 @!p0 $0xF7A, s2;
	p2 =	seq.s32 @!p0 s5, $0x0  }
0x1f: {  	s9 =	smul.u32 $0xF7A, s1;
	s8 =	simm.s32 @!p0 $0x1BF5;
	p2 =	por !p2, p0  }
0x20: {  	[sflag:s8] =	ssyncset.s32 @!p0 $0xFFFFF086;
	s6 =	sadd.s32 @!p0 s3, s7;
	s7 =	simm.s32 @!p0 $0x108  }
0x21: {  	s3 =	sadd.s32 s3, s9;
	s6 =	sadd.s32 @!p0 $0x88, s6;
	s7 =	simm.s32 @p2 $0x1082  }
0x22: {  	[simem:s7], [sflag:s8] =	dma.local @!p0 [hbm:s6], $0xF7A  }
0x23: {  	s9 =	sor.u32 $0xD0000000, s2;
	s6 =	simm.s32 $0x108;
	_ =	swait.ge @!p0 [sflag:s8], $0x0  }
0x24: {  	s3 =	sadd.s32 $0x88, s3;
	s6 =	simm.s32 @!p1 $0x1082;
	[sflag:s4] =	ssyncset.s32 $0xFFFFF086  }
0x25: {  	[simem:s6], [sflag:s4] =	dma.local [hbm:s3], $0xF7A  }
0x26: {  	[smem:$0x3F98] =	sst s1;
	(tag) =	ssettag s2;
	_ =	strace s9  }
0x27: {  	s1 =	sld [smem:$0x3FA8]  }
0x28: {  	s2 =	sld [smem:$0x3FA9]  }
0x29: {  	s4 =	sld [smem:$0x3FAB]  }
0x2a: {  	p0 =	seq.s32 s5, $0x0;
	s5 =	sld [smem:$0x3FAC]  }
0x2b: {  	s6 =	sld [smem:$0x3FAD]  }
0x2c: {  	s7 =	sld [smem:$0x3FAE]  }
0x2d: {  	s3 =	simm.s32 $0x108;
	s8 =	sld [smem:$0x3FAF]  }
0x2e: {  	s3 =	simm.s32 @!p0 $0x1082;
	s9 =	sld [smem:$0x3FB0]  }
0x2f: {  	lr =	sadd.s32 s0, s3;
	s0 =	sld [smem:$0x3FA7]  }
0x30: {  	s3 =	sld [smem:$0x3FAA]  }
0x31: {  	[smem:$0x3FB3] =	sst s10  }
0x32: {  	s10 =	sld [smem:$0x3FB1];
	_ =	sdelay $0x3  }
0x33: {  	p0 =	seq.s32 s10, $0x1;
	s10 =	sld [smem:$0x3FB3];
	_ =	sdelay $0x3  }
0x34: {  	[smem:$0x3FB3] =	sst s10  }
0x35: {  	s10 =	sld [smem:$0x3FB2];
	_ =	sdelay $0x3  }
0x36: {  	p1 =	seq.s32 s10, $0x1;
	s10 =	sld [smem:$0x3FB3];
	_ =	sdelay $0x3  }
0x37: {  	[smem:$0x3FB3] =	sst s10  }
0x38: {  	s10 =	sld [smem:$0x3FB4]  }
0x39: {  	_ = 	snop;
	(pc) =	sbr.ind lr, $3  }
0x3a: {  	_ = 	snop  }
0x3b: {  	_ = 	snop  }
0x3c: {  	p2 =	seq.s32 s10, $0x1;
	s10 =	sld [smem:$0x3FB3]  }
0x3d: {  	_ =	shalt  }
0x3e: {  	_ =	shalt  }
0x3f: {  	_ =	shalt  }
0x40: {  	_ =	shalt  }
0x41: {  	_ =	shalt  }
0x42: {  	_ =	shalt  }
0x43: {  	_ =	shalt  }
0x44: {  	_ =	shalt  }
0x45: {  	_ =	shalt  }
0x46: {  	_ =	shalt  }
0x47: {  	_ =	shalt  }
0x48: {  	_ =	shalt  }
0x49: {  	_ =	shalt  }
0x4a: {  	_ =	shalt  }
0x4b: {  	_ =	shalt  }
0x4c: {  	_ =	shalt  }
0x4d: {  	_ =	shalt  }
0x4e: {  	_ =	shalt  }
0x4f: {  	_ =	shalt  }
0x50: {  	_ =	shalt  }
0x51: {  	_ =	shalt  }
0x52: {  	_ =	shalt  }
0x53: {  	_ =	shalt  }
0x54: {  	_ =	shalt  }
0x55: {  	_ =	shalt  }
0x56: {  	_ =	shalt  }
0x57: {  	_ =	shalt  }
0x58: {  	_ =	shalt  }
0x59: {  	_ =	shalt  }
0x5a: {  	_ =	shalt  }
0x5b: {  	_ =	shalt  }
0x5c: {  	_ =	shalt  }
0x5d: {  	_ =	shalt  }
0x5e: {  	_ =	shalt  }
0x5f: {  	_ =	shalt  }
0x60: {  	_ =	shalt  }
0x61: {  	_ =	shalt  }
0x62: {  	_ =	shalt  }
0x63: {  	_ =	shalt  }
0x64: {  	_ =	shalt  }
0x65: {  	_ =	shalt  }
0x66: {  	_ =	shalt  }
0x67: {  	_ =	shalt  }
0x68: {  	_ =	shalt  }
0x69: {  	_ =	shalt  }
0x6a: {  	_ =	shalt  }
0x6b: {  	_ =	shalt  }
0x6c: {  	_ =	shalt  }
0x6d: {  	_ =	shalt  }
0x6e: {  	_ =	shalt  }
0x6f: {  	_ =	shalt  }
0x70: {  	_ =	shalt  }
0x71: {  	_ =	shalt  }
0x72: {  	_ =	shalt  }
0x73: {  	_ =	shalt  }
0x74: {  	_ =	shalt  }
0x75: {  	_ =	shalt  }
0x76: {  	_ =	shalt  }
0x77: {  	_ =	shalt  }
0x78: {  	_ =	shalt  }
0x79: {  	_ =	shalt  }
0x7a: {  	_ =	shalt  }
0x7b: {  	_ =	shalt  }
0x7c: {  	_ =	shalt  }
0x7d: {  	_ =	shalt  }
0x7e: {  	_ =	shalt  }
0x7f: {  	_ =	shalt  }
0x80: {  	_ =	shalt  }
0x81: {  	_ =	shalt  }
0x82: {  	_ =	shalt  }
0x83: {  	_ =	shalt  }
0x84: {  	_ =	shalt  }
0x85: {  	_ =	shalt  }
0x86: {  	_ =	shalt  }
0x87: {  	_ =	shalt  }
.Lfunc_end0:
.L_simem_size_0:
called_computation_lowered:
.L_overlay_start_0:
0x88: {  	s2 =	sld [smem:$0x3FD9]  }
0x89: {  	s3 =	sld [smem:$0x3FFE];
	_ =	sdelay $0x1  }
0x8a: {  	s1 =	srdreg.scid  }
0x8b: {  	s0 =	sand.u32 $0x1, s1  }
0x8c: {  	s17 =	sshll.u32 s0, $0xA;
	s2 =	sadd.s32 s3, s2  }
0x8d: {  	s2 =	sadd.s32 s2, s17  }
0x8e: {  	[smem:$0x3FBF] =	sst s2  }
0x8f: {  	_ = 	snop  }
0x90: {  	s2 =	sld [smem:$0x3FC8]  }
0x91: {  	s18 =	sld [smem:$0x3FD0];
	(tm) =	ssettm $0x1  }
0x92: {  	s4 =	sld [smem:$0x3FFB];
	_ =	sdelay $0x3  }
0x93: {  	_ =	strace s4  }
0x94: {  	s4 =	sld [smem:$0x3FFC];
	_ =	sdelay $0x3  }
0x95: {  	_ =	strace s4  }
0x96: {  	s4 =	sld [smem:$0x3FFD];
	_ =	sdelay $0x3  }
0x97: {  	_ =	strace s4  }
0x98: {  	_ =	strace $0x8FFFFFFF  }
0x99: {  	s19 =	sld [smem:$0x3FDB];
	_ =	sdelay $0x1  }
0x9a: {  	s5 =	simm.s32 $_scs_section_size  }
0x9b: {  	s6 =	simm.s32 $_size__tile_overlayer_lowered;
	s7 =	simm.s32 $_tile_overlayer_lowered  }
0x9c: {  	s22 =	simm.s32 $0x1BFF;
	s21 =	sshll.u32 s7, $0x1;
	s4 =	sadd.s32 s5, s19  }
0x9d: {  	s8 =	simm.s32 $0x0;
	s20 =	sshll.u32 s6, $0x1;
	s6 =	sadd.s32 s21, s4  }
0x9e: {  	[timem:s8], [sflag:s22] =	dma.local [hbm:s6], s20  }
0x9f: {  	_ =	swait.ge [sflag:s22], s20  }
0xa0: {  	s5 =	ssub.s32 $0x0, s20;
	[sflag:s22] =	ssyncset.done $0x0  }
0xa1: {  	[sflag:s22] =	ssyncadd.s32 s5;
	_ =	sdelay $0x1  }
0xa2: {  	s23 =	simm.s32 $0x1B8B  }
0xa3: {  	_ =	swait.ge [sflag:s23], $0x1  }
0xa4: {  	[sflag:s23] =	ssyncset.done $0x0  }
0xa5: {  	s25 =	simm.s32 $0x1B8E;
	s24 =	sld [smem:$0x3FFE];
	[sflag:s23] =	ssyncadd.s32 $0xFFFFFFFF  }
0xa6: {  	s26 =	simm.s32 $execute0_lowered;
	[smem:$0x3FD2] =	sst s25  }
0xa7: {  	s6 =	sshll.u32 s26, $0x1;
	_ =	strace $0x80000046;
	[dreg:$0x1] =	wrdreg $0xFFFFFFFF  }
0xa8: {  	s28 =	simm.s32 $_size_execute0_lowered;
	s4 =	sadd.s32 s4, s6;
	[dreg:$0x0] =	wrdreg $0x0  }
0xa9: {  	s6 =	sshll.u32 s28, $0x1;
	[dreg:$0x2] =	wrdreg s4  }
0xaa: {  	[dreg:$0x3] =	wrdreg s6  }
0xab: {  	[dreg:$0x4] =	wrdreg $0xC0  }
0xac: {  	_ =	task [dreg:s8], $0x5FFFF  }
0xad: {  	[dreg:$0x1] =	wrdreg $0xFFFFFFFF  }
0xae: {  	[dreg:$0x0] =	wrdreg $0x60  }
0xaf: {  	[dreg:$0x2] =	wrdreg s18  }
0xb0: {  	[dreg:$0x3] =	wrdreg s2  }
0xb1: {  	[dreg:$0x4] =	wrdreg s24  }
0xb2: {  	[dreg:$0x5] =	wrdreg $0x9  }
0xb3: {  	_ =	task.clear_ibuf [dreg:s8], $0x6FFFF;
	_ =	strace $0x90000046  }
0xb4: {  	s29 =	simm.s32 $0x9;
	_ =	strace $0x80000048  }
0xb5: {  	_ =	swait.ge [sflag:s29], $0x1  }
0xb6: {  	[sflag:s29] =	ssyncadd.s32 $0xFFFFFFFF  }
0xb7: {  	_ =	strace $0x90000048  }
0xb8: {  	_ =	sfence  }
0xb9: {  	s30 =	sld [smem:$0x0];
	_ =	sdelay $0x2  }
0xba: {  	s31 =	sshll.u32 s1, $0xD;
	s1 =	sshrl.u32 s1, $0x2  }
0xbb: {  	s3 =	sand.u32 $0x4000, s31;
	s1 =	sadd.s32 s1, s30  }
0xbc: {  	s0 =	sor.u32 s3, s0;
	s1 =	sshll.u32 s1, $0x11  }
0xbd: {  	s0 =	sor.u32 s1, s0  }
0xbe: {  	s0 =	sadd.s32 $0x8F2B, s0  }
0xbf: {  	[sflag:s0] =	ssyncadd.remote.s32 $0x1  }
0xc0: {  	_ =	sfence.sel $0xFFFF  }
0xc1: {  	[dreg:$0x0] =	wrdreg $0xFFFFFFFF;
	(pc) =	sbr.abs _section_cstart, $3  }
0xc2: {  	[dreg:$0x1] =	wrdreg $0xFFFFFFFF  }
0xc3: {  	_ =	task.clear_ibuf [dreg:s8], $0x2FFFF;
	_ =	strace $0x9FFFFFFF  }
0xc4: {  	(tm) =	ssettm $0x7FFFFFFF  }
0xc5: {  	_ =	shalt  }
tec
execute0_lowered:
.L_overlay_start_1:
0x0: {  	(tag) =	ssettag $0x1  }
0x1: {  	s0 =	srdreg.scid  }
0x2: {  	s6 =	sand.u32 $0x1, s0  }
0x3: {  	s0 =	stileid.u32;
	s1 =	sshll.u32 s6, $0x4  }
0x4: {  	s2 =	rddreg [dreg:$0x0];
	s1 =	sor.u32 s0, s1  }
0x5: {  	s4 =	rddreg [dreg:$0x1];
	s5 =	smul.u32 $0x140, s1  }
0x6: {  	s8 =	rddreg [dreg:$0x2];
	s3 =	simm.s32 $0x0  }
0x7: {  	s7 =	simm.s32 $0x1;
	[smem:$0x7FF] =	sst s3;
	s9 =	smin.u32 s5, $0x25D0  }
0x8: {  	s10 =	ssub.s32 $0x2, s6;
	s1 =	rddreg [dreg:$0x3];
	s5 =	sshrl.u32 s9, $0x3  }
0x9: {  	_ =	strace $0x80000047;
	s5 =	sadd.s32 s4, s5;
	s4 =	simm.s32 $0x2  }
0xa: {  	[tilespmem:s3], [sflag:$0x2] =	stream.linear.gather [hbm4b:s5+s3], $0x140, $0x38;
	[tilespmem:$0x2940] =	vst v63  }
0xb: {  	s6 =	simm.s32 $0x140;
	s11 =	sshrl.u32 s10, $0x1;
	_ =	swait.ge [sflag:s4], $0x140  }
0xc: {  	s31 =	ssub.s32 s10, s11;
	s9 =	sshll.u32 s9, $0x2;
	[sflag:s4] =	ssyncset.done $0x0  }
0xd: {  	s8 =	sadd.s32 s9, s8;
	s9 =	smax.u32 s31, $0x1;
	[sflag:s4] =	ssyncadd.s32 $0xFFFFFEC0  }
0xe: {  	[tilespmem:s6], [sflag:$0x1] =	stream.indirect.gather [hbm4b:s2+s6], $0x20, s3, s6, $0xb8;
	[tilespmem:$0x2940] =	vst v63  }
0xf: {  	p0 =	sne.s32 s9, $0x1;
	_ =	swait.ge [sflag:s7], $0x2800  }
.Ltmp0:
0x10: {  	[sflag:s7] =	ssyncset.done $0x0;
	(pc) =	sbr.rel @!p0 .LBB2_2-.Ltmp0, $4  }
0x11: {  	s8 =	sadd.s32 $0x1600, s8;
	[sflag:s7] =	ssyncadd.s32 $0xFFFFD800  }
0x12: {  	[hbm4b:s8+s3] =	stream.linear.scatter [tilespmem:s6], [sflag:$0x2], $0x2800, $0x38;
	[tilespmem:$0x2940] =	vst v63  }
0x13: {  	_ =	swait.ge [sflag:s4], $0x2800  }
0x14: {  	s9 =	sadd.s32 $0xFFFFFFFF, s9;
	[sflag:s4] =	ssyncset.done $0x0  }
.LBB2_1:
0x15: {  	p0 =	sne.s32 s9, $0x1;
	s9 =	sadd.s32 $0xFFFFFFFF, s9;
	[sflag:s4] =	ssyncadd.s32 $0xFFFFD800  }
0x16: {  	[tilespmem:s3], [sflag:$0x2] =	stream.linear.gather [hbm4b:s5+s3], $0x140, $0x38;
	[tilespmem:$0x2940] =	vst v63  }
0x17: {  	_ =	swait.ge [sflag:s4], $0x140  }
0x18: {  	[sflag:s4] =	ssyncset.done $0x0  }
0x19: {  	[sflag:s4] =	ssyncadd.s32 $0xFFFFFEC0  }
0x1a: {  	[tilespmem:s6], [sflag:$0x1] =	stream.indirect.gather [hbm4b:s2+s6], $0x20, s3, s6, $0xb8;
	[tilespmem:$0x2940] =	vst v63  }
0x1b: {  	_ =	swait.ge [sflag:s7], $0x2800  }
.Ltmp1:
0x1c: {  	[sflag:s7] =	ssyncset.done $0x0;
	(pc) =	sbr.rel @p0 .LBB2_1-.Ltmp1, $4  }
0x1d: {  	[sflag:s7] =	ssyncadd.s32 $0xFFFFD800  }
0x1e: {  	[hbm4b:s8+s3] =	stream.linear.scatter [tilespmem:s6], [sflag:$0x2], $0x2800, $0x38;
	[tilespmem:$0x2940] =	vst v63  }
0x1f: {  	_ =	swait.ge [sflag:s4], $0x2800  }
0x20: {  	[sflag:s4] =	ssyncset.done $0x0  }
.LBB2_2:
0x21: {  	[sflag:s4] =	ssyncadd.s32 $0xFFFFD800  }
0x22: {  	_ =	sfence.sel $0x180000  }
0x23: {  	[bflag:$0x0] =	sbarrier.arrive $0xFFFF  }
0x24: {  	p0 =	sne.s32 s0, $0x0;
	_ =	strace $0x90000047  }
0x25: {  	s0 =	sadd.s32 @!p0 $0x100000, s1;
	[bflag:$0x2] =	sbarrier.arrive $0xFFFF  }
0x26: {  	[sflag:s0] =	ssyncadd.tile.s32 @!p0 $0x1;
	_ =	shalt  }
.Lfunc_end2:
_tile_overlayer_lowered:
.L_overlay_start_2:
0x27: {  	(tag) =	ssettag $0x2  }
0x28: {  	s0 =	rddreg [dreg:$0x0];
	s2 =	stileid.u32  }
0x29: {  	s1 =	rddreg [dreg:$0x1];
	p0 =	sne.s32 s2, $0x0  }
0x2a: {  	s3 =	rddreg [dreg:$0x2];
	[bflag:$0x3] =	sbarrier.arrive $0xFFFF;
	s2 =	simm.s32 @!p0 $0x1C02  }
0x2b: {  	[timem:s3], [sflag:s2] =	dma.local @!p0 [hbm:s0], s1  }
0x2c: {  	s0 =	simm.s32 @!p0 $0x2  }
0x2d: {  	_ =	swait.ge @!p0 [sflag:s0], s1  }
0x2e: {  	s1 =	ssub.s32 @!p0 $0x0, s1;
	[sflag:s0] =	ssyncset.done @!p0 $0x0  }
0x2f: {  	[sflag:s0] =	ssyncadd.s32 @!p0 s1  }
0x30: {  	[bflag:$0x3] =	sbarrier.arrive $0xFFFF  }
0x31: {  	_ =	shalt  }

// kernel: kernel.9.cloned.1.call-start
scs
__scs_entry_jumppad:
0x0: {  	(pc) =	sbr.rel $0x88, $3  }
0x1: {  	(tag) =	ssettag $0x0;
	lr =	simm.s32 $0x1  }
0x2: {  	[smem:$0x3F98] =	sst lr;
	_ =	strace $0xD0000000  }
0x3: {  	_ = 	snop  }
0x4: {  	_ = 	snop  }
0x5: {  	_ = 	snop  }
0x6: {  	_ = 	snop  }
0x7: {  	_ = 	snop  }
__scs_overlays_trampoline_lowered:
0x8: {  	[smem:$0x3FA7] =	sst s0  }
0x9: {  	[smem:$0x3FA8] =	sst s1  }
0xa: {  	[smem:$0x3FA9] =	sst s2  }
0xb: {  	[smem:$0x3FAA] =	sst s3  }
0xc: {  	[smem:$0x3FAB] =	sst s4  }
0xd: {  	[smem:$0x3FAC] =	sst s5  }
0xe: {  	[smem:$0x3FAD] =	sst s6  }
0xf: {  	[smem:$0x3FAE] =	sst s7  }
0x10: {  	[smem:$0x3FAF] =	sst s8  }
0x11: {  	[smem:$0x3FB0] =	sst s9;
	s0 =	simm.s32 @!p0 $0x0  }
0x12: {  	s1 =	sld [smem:$0x3F96];
	s0 =	simm.s32 @p0 $0x1  }
0x13: {  	[smem:$0x3FB1] =	sst s0;
	s0 =	simm.s32 @!p1 $0x0  }
0x14: {  	s2 =	sld [smem:$0x3F95];
	s0 =	simm.s32 @p1 $0x1  }
0x15: {  	[smem:$0x3FB2] =	sst s0;
	s0 =	simm.s32 @!p2 $0x0  }
0x16: {  	s3 =	sld [smem:$0x3FDB];
	s0 =	simm.s32 @p2 $0x1  }
0x17: {  	s4 =	simm.s32 $0x1BF5;
	[smem:$0x3FB4] =	sst s0  }
0x18: {  	s0 =	sld [smem:$0x3F97];
	_ =	swait.ge [sflag:s4], $0x0  }
0x19: {  	s7 =	sld [smem:$0x3F98]  }
0x1a: {  	s8 =	sadd.s32 $0xFFFFE003, lr  }
0x1b: {  	s9 =	sadd.s32 $0xFFFFFEF7, lr;
	s5 =	simm.s32 $0xFFFFFFFF;
	p2 =	slt.u32 s8, $0xFFFFF086  }
0x1c: {  	p1 =	slt.u32 s9, $0xF7A;
	s5 =	simm.s32 @!p2 $0x0  }
0x1d: {  	s5 =	simm.s32 @p1 $0x1;
	p0 =	seq.s32 s7, s2  }
0x1e: {  	s7 =	smul.u32 @!p0 $0xF7A, s2;
	p2 =	seq.s32 @!p0 s5, $0x0  }
0x1f: {  	s9 =	smul.u32 $0xF7A, s1;
	s8 =	simm.s32 @!p0 $0x1BF5;
	p2 =	por !p2, p0  }
0x20: {  	[sflag:s8] =	ssyncset.s32 @!p0 $0xFFFFF086;
	s6 =	sadd.s32 @!p0 s3, s7;
	s7 =	simm.s32 @!p0 $0x108  }
0x21: {  	s3 =	sadd.s32 s3, s9;
	s6 =	sadd.s32 @!p0 $0x88, s6;
	s7 =	simm.s32 @p2 $0x1082  }
0x22: {  	[simem:s7], [sflag:s8] =	dma.local @!p0 [hbm:s6], $0xF7A  }
0x23: {  	s9 =	sor.u32 $0xD0000000, s2;
	s6 =	simm.s32 $0x108;
	_ =	swait.ge @!p0 [sflag:s8], $0x0  }
0x24: {  	s3 =	sadd.s32 $0x88, s3;
	s6 =	simm.s32 @!p1 $0x1082;
	[sflag:s4] =	ssyncset.s32 $0xFFFFF086  }
0x25: {  	[simem:s6], [sflag:s4] =	dma.local [hbm:s3], $0xF7A  }
0x26: {  	[smem:$0x3F98] =	sst s1;
	(tag) =	ssettag s2;
	_ =	strace s9  }
0x27: {  	s1 =	sld [smem:$0x3FA8]  }
0x28: {  	s2 =	sld [smem:$0x3FA9]  }
0x29: {  	s4 =	sld [smem:$0x3FAB]  }
0x2a: {  	p0 =	seq.s32 s5, $0x0;
	s5 =	sld [smem:$0x3FAC]  }
0x2b: {  	s6 =	sld [smem:$0x3FAD]  }
0x2c: {  	s7 =	sld [smem:$0x3FAE]  }
0x2d: {  	s3 =	simm.s32 $0x108;
	s8 =	sld [smem:$0x3FAF]  }
0x2e: {  	s3 =	simm.s32 @!p0 $0x1082;
	s9 =	sld [smem:$0x3FB0]  }
0x2f: {  	lr =	sadd.s32 s0, s3;
	s0 =	sld [smem:$0x3FA7]  }
0x30: {  	s3 =	sld [smem:$0x3FAA]  }
0x31: {  	[smem:$0x3FB3] =	sst s10  }
0x32: {  	s10 =	sld [smem:$0x3FB1];
	_ =	sdelay $0x3  }
0x33: {  	p0 =	seq.s32 s10, $0x1;
	s10 =	sld [smem:$0x3FB3];
	_ =	sdelay $0x3  }
0x34: {  	[smem:$0x3FB3] =	sst s10  }
0x35: {  	s10 =	sld [smem:$0x3FB2];
	_ =	sdelay $0x3  }
0x36: {  	p1 =	seq.s32 s10, $0x1;
	s10 =	sld [smem:$0x3FB3];
	_ =	sdelay $0x3  }
0x37: {  	[smem:$0x3FB3] =	sst s10  }
0x38: {  	s10 =	sld [smem:$0x3FB4]  }
0x39: {  	_ = 	snop;
	(pc) =	sbr.ind lr, $3  }
0x3a: {  	_ = 	snop  }
0x3b: {  	_ = 	snop  }
0x3c: {  	p2 =	seq.s32 s10, $0x1;
	s10 =	sld [smem:$0x3FB3]  }
0x3d: {  	_ =	shalt  }
0x3e: {  	_ =	shalt  }
0x3f: {  	_ =	shalt  }
0x40: {  	_ =	shalt  }
0x41: {  	_ =	shalt  }
0x42: {  	_ =	shalt  }
0x43: {  	_ =	shalt  }
0x44: {  	_ =	shalt  }
0x45: {  	_ =	shalt  }
0x46: {  	_ =	shalt  }
0x47: {  	_ =	shalt  }
0x48: {  	_ =	shalt  }
0x49: {  	_ =	shalt  }
0x4a: {  	_ =	shalt  }
0x4b: {  	_ =	shalt  }
0x4c: {  	_ =	shalt  }
0x4d: {  	_ =	shalt  }
0x4e: {  	_ =	shalt  }
0x4f: {  	_ =	shalt  }
0x50: {  	_ =	shalt  }
0x51: {  	_ =	shalt  }
0x52: {  	_ =	shalt  }
0x53: {  	_ =	shalt  }
0x54: {  	_ =	shalt  }
0x55: {  	_ =	shalt  }
0x56: {  	_ =	shalt  }
0x57: {  	_ =	shalt  }
0x58: {  	_ =	shalt  }
0x59: {  	_ =	shalt  }
0x5a: {  	_ =	shalt  }
0x5b: {  	_ =	shalt  }
0x5c: {  	_ =	shalt  }
0x5d: {  	_ =	shalt  }
0x5e: {  	_ =	shalt  }
0x5f: {  	_ =	shalt  }
0x60: {  	_ =	shalt  }
0x61: {  	_ =	shalt  }
0x62: {  	_ =	shalt  }
0x63: {  	_ =	shalt  }
0x64: {  	_ =	shalt  }
0x65: {  	_ =	shalt  }
0x66: {  	_ =	shalt  }
0x67: {  	_ =	shalt  }
0x68: {  	_ =	shalt  }
0x69: {  	_ =	shalt  }
0x6a: {  	_ =	shalt  }
0x6b: {  	_ =	shalt  }
0x6c: {  	_ =	shalt  }
0x6d: {  	_ =	shalt  }
0x6e: {  	_ =	shalt  }
0x6f: {  	_ =	shalt  }
0x70: {  	_ =	shalt  }
0x71: {  	_ =	shalt  }
0x72: {  	_ =	shalt  }
0x73: {  	_ =	shalt  }
0x74: {  	_ =	shalt  }
0x75: {  	_ =	shalt  }
0x76: {  	_ =	shalt  }
0x77: {  	_ =	shalt  }
0x78: {  	_ =	shalt  }
0x79: {  	_ =	shalt  }
0x7a: {  	_ =	shalt  }
0x7b: {  	_ =	shalt  }
0x7c: {  	_ =	shalt  }
0x7d: {  	_ =	shalt  }
0x7e: {  	_ =	shalt  }
0x7f: {  	_ =	shalt  }
0x80: {  	_ =	shalt  }
0x81: {  	_ =	shalt  }
0x82: {  	_ =	shalt  }
0x83: {  	_ =	shalt  }
0x84: {  	_ =	shalt  }
0x85: {  	_ =	shalt  }
0x86: {  	_ =	shalt  }
0x87: {  	_ =	shalt  }
.Lfunc_end0:
.L_simem_size_0:
called_computation.1_lowered:
.L_overlay_start_0:
0x88: {  	s2 =	sld [smem:$0x3FD9]  }
0x89: {  	s3 =	sld [smem:$0x3FFE];
	_ =	sdelay $0x1  }
0x8a: {  	s1 =	srdreg.scid  }
0x8b: {  	s0 =	sand.u32 $0x1, s1  }
0x8c: {  	s17 =	sshll.u32 s0, $0xA;
	s2 =	sadd.s32 s3, s2  }
0x8d: {  	s2 =	sadd.s32 s2, s17  }
0x8e: {  	[smem:$0x3FBF] =	sst s2  }
0x8f: {  	_ = 	snop  }
0x90: {  	s2 =	sld [smem:$0x3FD0];
	(tm) =	ssettm $0x1  }
0x91: {  	s18 =	sld [smem:$0x3FFB];
	_ =	sdelay $0x3  }
0x92: {  	_ =	strace s18  }
0x93: {  	s3 =	sld [smem:$0x3FFC];
	_ =	sdelay $0x3  }
0x94: {  	_ =	strace s3  }
0x95: {  	s3 =	sld [smem:$0x3FFD];
	_ =	sdelay $0x3  }
0x96: {  	_ =	strace s3  }
0x97: {  	_ =	strace $0x8FFFFFFF  }
0x98: {  	s19 =	sld [smem:$0x3FDB];
	_ =	sdelay $0x1  }
0x99: {  	s4 =	simm.s32 $_scs_section_size  }
0x9a: {  	s5 =	simm.s32 $_size__tile_overlayer_lowered;
	s6 =	simm.s32 $_tile_overlayer_lowered  }
0x9b: {  	s22 =	simm.s32 $0x1BFF;
	s21 =	sshll.u32 s6, $0x1;
	s3 =	sadd.s32 s4, s19  }
0x9c: {  	s7 =	simm.s32 $0x0;
	s20 =	sshll.u32 s5, $0x1;
	s5 =	sadd.s32 s21, s3  }
0x9d: {  	[timem:s7], [sflag:s22] =	dma.local [hbm:s5], s20  }
0x9e: {  	_ =	swait.ge [sflag:s22], s20  }
0x9f: {  	s4 =	ssub.s32 $0x0, s20;
	[sflag:s22] =	ssyncset.done $0x0  }
0xa0: {  	[sflag:s22] =	ssyncadd.s32 s4;
	_ =	sdelay $0x1  }
0xa1: {  	s23 =	simm.s32 $0x1B8B  }
0xa2: {  	_ =	swait.ge [sflag:s23], $0x1  }
0xa3: {  	[sflag:s23] =	ssyncset.done $0x0  }
0xa4: {  	s25 =	simm.s32 $0x1B8E;
	s24 =	sld [smem:$0x3FFE];
	[sflag:s23] =	ssyncadd.s32 $0xFFFFFFFF  }
0xa5: {  	s26 =	simm.s32 $execute0_lowered;
	[smem:$0x3FD2] =	sst s25  }
0xa6: {  	s5 =	sshll.u32 s26, $0x1;
	_ =	strace $0x80000049;
	[dreg:$0x1] =	wrdreg $0xFFFFFFFF  }
0xa7: {  	s28 =	simm.s32 $_size_execute0_lowered;
	s3 =	sadd.s32 s3, s5;
	[dreg:$0x0] =	wrdreg $0x0  }
0xa8: {  	s5 =	sshll.u32 s28, $0x1;
	[dreg:$0x2] =	wrdreg s3  }
0xa9: {  	[dreg:$0x3] =	wrdreg s5  }
0xaa: {  	[dreg:$0x4] =	wrdreg $0xC0  }
0xab: {  	_ =	task [dreg:s7], $0x5FFFF  }
0xac: {  	[dreg:$0x1] =	wrdreg $0xFFFFFFFF  }
0xad: {  	[dreg:$0x0] =	wrdreg $0x60  }
0xae: {  	[dreg:$0x2] =	wrdreg s24  }
0xaf: {  	[dreg:$0x3] =	wrdreg s2  }
0xb0: {  	[dreg:$0x4] =	wrdreg $0x121100  }
0xb1: {  	[dreg:$0x5] =	wrdreg $0x9  }
0xb2: {  	_ =	task.clear_ibuf [dreg:s7], $0x6FFFF;
	_ =	strace $0x90000049  }
0xb3: {  	s29 =	simm.s32 $0x9;
	_ =	strace $0x8000004B  }
0xb4: {  	_ =	swait.ge [sflag:s29], $0x1  }
0xb5: {  	[sflag:s29] =	ssyncadd.s32 $0xFFFFFFFF  }
0xb6: {  	_ =	strace $0x9000004B  }
0xb7: {  	_ =	sfence  }
0xb8: {  	s30 =	sld [smem:$0x0];
	_ =	sdelay $0x2  }
0xb9: {  	s31 =	sshll.u32 s1, $0xD;
	s1 =	sshrl.u32 s1, $0x2  }
0xba: {  	s3 =	sand.u32 $0x4000, s31;
	s1 =	sadd.s32 s1, s30  }
0xbb: {  	s0 =	sor.u32 s3, s0;
	s1 =	sshll.u32 s1, $0x11  }
0xbc: {  	s0 =	sor.u32 s1, s0  }
0xbd: {  	s0 =	sadd.s32 $0x8F2B, s0  }
0xbe: {  	[sflag:s0] =	ssyncadd.remote.s32 $0x1  }
0xbf: {  	_ =	sfence.sel $0xFFFF  }
0xc0: {  	[dreg:$0x0] =	wrdreg $0xFFFFFFFF;
	(pc) =	sbr.abs _section_cstart, $3  }
0xc1: {  	[dreg:$0x1] =	wrdreg $0xFFFFFFFF  }
0xc2: {  	_ =	task.clear_ibuf [dreg:s7], $0x2FFFF;
	_ =	strace $0x9FFFFFFF  }
0xc3: {  	(tm) =	ssettm $0x7FFFFFFF  }
tec
execute0_lowered:
.L_overlay_start_1:
0x0: {  	(tag) =	ssettag $0x1  }
0x1: {  	s0 =	srdreg.scid  }
0x2: {  	s28 =	sand.u32 $0x1, s0  }
0x3: {  	s9 =	rddreg [dreg:$0x0];
	s0 =	stileid.u32;
	s1 =	sshll.u32 s28, $0x4  }
0x4: {  	s26 =	rddreg [dreg:$0x1];
	s4 =	sor.u32 s0, s1  }
0x5: {  	s2 =	rddreg [dreg:$0x2];
	s3 =	simm.s32 $0x0;
	s4 =	smul.u32 $0x271, s4  }
0x6: {  	[smem:$0x7FF] =	sst s3  }
0x7: {  	s1 =	rddreg [dreg:$0x3];
	s7 =	sadd.s32 s4, s9  }
0x8: {  	_ =	strace $0x8000004A;
	s4 =	simm.s32 $0x5;
	s5 =	sadd.s32 $0x10400, s7  }
0x9: {  	[tilespmem:s3], [sflag:$0x5] =	stream.linear.gather [hbm4b:s5+s3], $0x1388, $0x38;
	[tilespmem:$0x16F30] =	vst v63  }
0xa: {  	s8 =	simm.s32 $0x1388;
	_ =	swait.ge [sflag:s4], $0x1388  }
0xb: {  	s12 =	simm.s32 $0xA410;
	s6 =	sadd.s32 $0x63600, s9;
	[sflag:s4] =	ssyncset.done $0x0  }
0xc: {  	s10 =	smul.u32 $0x4E20, s0;
	s7 =	sadd.s32 $0xB400, s7;
	[sflag:s4] =	ssyncadd.s32 $0xFFFFEC78  }
0xd: {  	[tilespmem:s8], [sflag:$0x5] =	stream.linear.gather [hbm4b:s7+s3], $0x1388, $0x38;
	[tilespmem:$0x16F30] =	vst v63  }
0xe: {  	s13 =	sshll.u32 s0, $0x6;
	s11 =	sshrl.u32 s10, $0x3;
	_ =	swait.ge [sflag:s4], $0x1388  }
0xf: {  	s14 =	sadd.s32 s10, s2;
	s10 =	simm.s32 $0x3E8;
	[sflag:s4] =	ssyncset.done $0x0  }
0x10: {  	s9 =	sadd.s32 s11, s9;
	s11 =	simm.s32 $0x2710;
	[sflag:s4] =	ssyncadd.s32 $0xFFFFEC78  }
0x11: {  	[tilespmem:s11], [sflag:$0x1] =	stream.indirect.gather [hbm4b:s6+s10], $0x20, s3, s10, $0xb8;
	[tilespmem:$0x16F30] =	vst v63  }
0x12: {  	s13 =	sor.u32 $0x1C05, s13;
	s14 =	sshrl.u32 s14, $0x3;
	s9 =	sadd.s32 $0x1600, s9  }
0x13: {  	[tilespmem:s12], [sflag:$0x2] =	stream.indirect.gather [hbm4b:s6+s10], $0x20, s10, s10, $0xb8;
	[tilespmem:$0x16F30] =	vst v63  }
0x14: {  	[spmem:s14], [sflag:s13] =	dma.local [hbm:s9], $0x9C4  }
0x15: {  	_ =	swait.ge [sflag:s4], $0x9C4  }
0x16: {  	[sflag:s4] =	ssyncset.done $0x0  }
0x17: {  	[sflag:s4] =	ssyncadd.s32 $0xFFFFF63C  }
0x18: {  	s15 =	simm.s32 $0x1;
	[bflag:$0x0] =	sbarrier.arrive $0xFFFF  }
0x19: {  	_ =	swait.ge [sflag:s15], $0x7D00  }
0x1a: {  	[sflag:s15] =	ssyncset.done $0x0  }
0x1b: {  	s16 =	simm.s32 $0x3;
	[sflag:s15] =	ssyncadd.s32 $0xFFFF8300  }
0x1c: {  	[spmem:s2] =	stream.indirect.scatter.add.f32 [tilespmem:s11], [sflag:$0x3], $0x20, s8, s10, $0xb8;
	[tilespmem:$0x16F30] =	vst v63  }
0x1d: {  	_ =	swait.ge [sflag:s16], $0x7D00  }
0x1e: {  	[sflag:s16] =	ssyncset.done $0x0  }
0x1f: {  	s17 =	simm.s32 $0x7D0;
	s18 =	simm.s32 $0x2;
	[sflag:s16] =	ssyncadd.s32 $0xFFFF8300  }
0x20: {  	[tilespmem:s11], [sflag:$0x1] =	stream.indirect.gather [hbm4b:s6+s10], $0x20, s17, s10, $0xb8;
	[tilespmem:$0x16F30] =	vst v63  }
0x21: {  	_ =	swait.ge [sflag:s18], $0x7D00  }
0x22: {  	[sflag:s18] =	ssyncset.done $0x0  }
0x23: {  	s19 =	simm.s32 $0x1770;
	s20 =	simm.s32 $0x4;
	[sflag:s18] =	ssyncadd.s32 $0xFFFF8300  }
0x24: {  	[spmem:s2] =	stream.indirect.scatter.add.f32 [tilespmem:s12], [sflag:$0x4], $0x20, s19, s10, $0xb8;
	[tilespmem:$0x16F30] =	vst v63  }
0x25: {  	_ =	swait.ge [sflag:s20], $0x7D00  }
0x26: {  	[sflag:s20] =	ssyncset.done $0x0  }
0x27: {  	s21 =	simm.s32 $0xBB8;
	[sflag:s20] =	ssyncadd.s32 $0xFFFF8300  }
0x28: {  	[tilespmem:s12], [sflag:$0x2] =	stream.indirect.gather [hbm4b:s6+s10], $0x20, s21, s10, $0xb8;
	[tilespmem:$0x16F30] =	vst v63  }
0x29: {  	_ =	swait.ge [sflag:s15], $0x7D00  }
0x2a: {  	[sflag:s15] =	ssyncset.done $0x0  }
0x2b: {  	s22 =	simm.s32 $0x1B58;
	[sflag:s15] =	ssyncadd.s32 $0xFFFF8300  }
0x2c: {  	[spmem:s2] =	stream.indirect.scatter.add.f32 [tilespmem:s11], [sflag:$0x3], $0x20, s22, s10, $0xb8;
	[tilespmem:$0x16F30] =	vst v63  }
0x2d: {  	_ =	swait.ge [sflag:s16], $0x7D00  }
0x2e: {  	[sflag:s16] =	ssyncset.done $0x0  }
0x2f: {  	s23 =	simm.s32 $0xFA0;
	[sflag:s16] =	ssyncadd.s32 $0xFFFF8300  }
0x30: {  	[tilespmem:s11], [sflag:$0x1] =	stream.indirect.gather [hbm4b:s6+s10], $0x20, s23, s10, $0xb8;
	[tilespmem:$0x16F30] =	vst v63  }
0x31: {  	_ =	swait.ge [sflag:s18], $0x7D00  }
0x32: {  	[sflag:s18] =	ssyncset.done $0x0  }
0x33: {  	s24 =	simm.s32 $0x1F40;
	[sflag:s18] =	ssyncadd.s32 $0xFFFF8300  }
0x34: {  	[spmem:s2] =	stream.indirect.scatter.add.f32 [tilespmem:s12], [sflag:$0x4], $0x20, s24, s10, $0xb8;
	[tilespmem:$0x16F30] =	vst v63  }
0x35: {  	_ =	swait.ge [sflag:s15], $0x7D00  }
0x36: {  	[sflag:s15] =	ssyncset.done $0x0  }
0x37: {  	s25 =	simm.s32 $0x2328;
	[sflag:s15] =	ssyncadd.s32 $0xFFFF8300  }
0x38: {  	[spmem:s2] =	stream.indirect.scatter.add.f32 [tilespmem:s11], [sflag:$0x3], $0x20, s25, s10, $0xb8;
	[tilespmem:$0x16F30] =	vst v63  }
0x39: {  	s29 =	smul.u32 $0x9C40, s28;
	s28 =	ssub.s32 $0x2, s28;
	_ =	swait.ge [sflag:s20], $0x7D00  }
0x3a: {  	s31 =	sshrl.u32 s28, $0x1;
	[sflag:s20] =	ssyncset.done $0x0  }
0x3b: {  	s28 =	ssub.s32 s28, s31;
	[sflag:s20] =	ssyncadd.s32 $0xFFFF8300  }
0x3c: {  	s30 =	smul.u32 $0x9C4, s0;
	s28 =	smax.u32 s28, $0x1;
	_ =	swait.ge [sflag:s16], $0x7D00  }
0x3d: {  	p0 =	sne.s32 s28, $0x1;
	[sflag:s16] =	ssyncset.done $0x0  }
.Ltmp0:
0x3e: {  	s29 =	sadd.s32 s30, s29;
	[sflag:s16] =	ssyncadd.s32 $0xFFFF8300;
	(pc) =	sbr.rel @!p0 .LBB2_2-.Ltmp0, $4  }
0x3f: {  	s26 =	sadd.s32 s26, s29;
	[bflag:$0x0] =	sbarrier.arrive $0xFFFF  }
0x40: {  	[hbm:s26], [sflag:s13] =	dma.local [spmem:s14], $0x9C4  }
0x41: {  	_ =	swait.ge [sflag:s4], $0x9C4  }
0x42: {  	s28 =	sadd.s32 $0xFFFFFFFF, s28;
	[sflag:s4] =	ssyncset.done $0x0  }
.LBB2_1:
0x43: {  	p0 =	sne.s32 s28, $0x1;
	s28 =	sadd.s32 $0xFFFFFFFF, s28;
	[sflag:s4] =	ssyncadd.s32 $0xFFFFF63C  }
0x44: {  	[tilespmem:s3], [sflag:$0x5] =	stream.linear.gather [hbm4b:s5+s3], $0x1388, $0x38;
	[tilespmem:$0x16F30] =	vst v63  }
0x45: {  	_ =	swait.ge [sflag:s4], $0x1388  }
0x46: {  	[sflag:s4] =	ssyncset.done $0x0  }
0x47: {  	[sflag:s4] =	ssyncadd.s32 $0xFFFFEC78  }
0x48: {  	[tilespmem:s8], [sflag:$0x5] =	stream.linear.gather [hbm4b:s7+s3], $0x1388, $0x38;
	[tilespmem:$0x16F30] =	vst v63  }
0x49: {  	_ =	swait.ge [sflag:s4], $0x1388  }
0x4a: {  	[sflag:s4] =	ssyncset.done $0x0  }
0x4b: {  	[sflag:s4] =	ssyncadd.s32 $0xFFFFEC78  }
0x4c: {  	[tilespmem:s11], [sflag:$0x1] =	stream.indirect.gather [hbm4b:s6+s10], $0x20, s3, s10, $0xb8;
	[tilespmem:$0x16F30] =	vst v63  }
0x4d: {  	_ = 	snop  }
0x4e: {  	[tilespmem:s12], [sflag:$0x2] =	stream.indirect.gather [hbm4b:s6+s10], $0x20, s10, s10, $0xb8;
	[tilespmem:$0x16F30] =	vst v63  }
0x4f: {  	[spmem:s14], [sflag:s13] =	dma.local [hbm:s9], $0x9C4  }
0x50: {  	_ =	swait.ge [sflag:s4], $0x9C4  }
0x51: {  	[sflag:s4] =	ssyncset.done $0x0  }
0x52: {  	[sflag:s4] =	ssyncadd.s32 $0xFFFFF63C  }
0x53: {  	[bflag:$0x0] =	sbarrier.arrive $0xFFFF  }
0x54: {  	_ =	swait.ge [sflag:s15], $0x7D00  }
0x55: {  	[sflag:s15] =	ssyncset.done $0x0  }
0x56: {  	[sflag:s15] =	ssyncadd.s32 $0xFFFF8300  }
0x57: {  	[spmem:s2] =	stream.indirect.scatter.add.f32 [tilespmem:s11], [sflag:$0x3], $0x20, s8, s10, $0xb8;
	[tilespmem:$0x16F30] =	vst v63  }
0x58: {  	_ =	swait.ge [sflag:s16], $0x7D00  }
0x59: {  	[sflag:s16] =	ssyncset.done $0x0  }
0x5a: {  	[sflag:s16] =	ssyncadd.s32 $0xFFFF8300  }
0x5b: {  	[tilespmem:s11], [sflag:$0x1] =	stream.indirect.gather [hbm4b:s6+s10], $0x20, s17, s10, $0xb8;
	[tilespmem:$0x16F30] =	vst v63  }
0x5c: {  	_ =	swait.ge [sflag:s18], $0x7D00  }
0x5d: {  	[sflag:s18] =	ssyncset.done $0x0  }
0x5e: {  	[sflag:s18] =	ssyncadd.s32 $0xFFFF8300  }
0x5f: {  	[spmem:s2] =	stream.indirect.scatter.add.f32 [tilespmem:s12], [sflag:$0x4], $0x20, s19, s10, $0xb8;
	[tilespmem:$0x16F30] =	vst v63  }
0x60: {  	_ =	swait.ge [sflag:s20], $0x7D00  }
0x61: {  	[sflag:s20] =	ssyncset.done $0x0  }
0x62: {  	[sflag:s20] =	ssyncadd.s32 $0xFFFF8300  }
0x63: {  	[tilespmem:s12], [sflag:$0x2] =	stream.indirect.gather [hbm4b:s6+s10], $0x20, s21, s10, $0xb8;
	[tilespmem:$0x16F30] =	vst v63  }
0x64: {  	_ =	swait.ge [sflag:s15], $0x7D00  }
0x65: {  	[sflag:s15] =	ssyncset.done $0x0  }
0x66: {  	[sflag:s15] =	ssyncadd.s32 $0xFFFF8300  }
0x67: {  	[spmem:s2] =	stream.indirect.scatter.add.f32 [tilespmem:s11], [sflag:$0x3], $0x20, s22, s10, $0xb8;
	[tilespmem:$0x16F30] =	vst v63  }
0x68: {  	_ =	swait.ge [sflag:s16], $0x7D00  }
0x69: {  	[sflag:s16] =	ssyncset.done $0x0  }
0x6a: {  	[sflag:s16] =	ssyncadd.s32 $0xFFFF8300  }
0x6b: {  	[tilespmem:s11], [sflag:$0x1] =	stream.indirect.gather [hbm4b:s6+s10], $0x20, s23, s10, $0xb8;
	[tilespmem:$0x16F30] =	vst v63  }
0x6c: {  	_ =	swait.ge [sflag:s18], $0x7D00  }
0x6d: {  	[sflag:s18] =	ssyncset.done $0x0  }
0x6e: {  	[sflag:s18] =	ssyncadd.s32 $0xFFFF8300  }
0x6f: {  	[spmem:s2] =	stream.indirect.scatter.add.f32 [tilespmem:s12], [sflag:$0x4], $0x20, s24, s10, $0xb8;
	[tilespmem:$0x16F30] =	vst v63  }
0x70: {  	_ =	swait.ge [sflag:s15], $0x7D00  }
0x71: {  	[sflag:s15] =	ssyncset.done $0x0  }
0x72: {  	[sflag:s15] =	ssyncadd.s32 $0xFFFF8300  }
0x73: {  	[spmem:s2] =	stream.indirect.scatter.add.f32 [tilespmem:s11], [sflag:$0x3], $0x20, s25, s10, $0xb8;
	[tilespmem:$0x16F30] =	vst v63  }
0x74: {  	_ =	swait.ge [sflag:s20], $0x7D00  }
0x75: {  	[sflag:s20] =	ssyncset.done $0x0  }
0x76: {  	[sflag:s20] =	ssyncadd.s32 $0xFFFF8300  }
0x77: {  	_ =	swait.ge [sflag:s16], $0x7D00  }
0x78: {  	[sflag:s16] =	ssyncset.done $0x0  }
.Ltmp1:
0x79: {  	[sflag:s16] =	ssyncadd.s32 $0xFFFF8300;
	(pc) =	sbr.rel @p0 .LBB2_1-.Ltmp1, $4  }
0x7a: {  	[bflag:$0x0] =	sbarrier.arrive $0xFFFF  }
0x7b: {  	[hbm:s26], [sflag:s13] =	dma.local [spmem:s14], $0x9C4  }
0x7c: {  	_ =	swait.ge [sflag:s4], $0x9C4  }
0x7d: {  	[sflag:s4] =	ssyncset.done $0x0  }
.LBB2_2:
0x7e: {  	[sflag:s4] =	ssyncadd.s32 $0xFFFFF63C  }
0x7f: {  	_ =	sfence.sel $0x180000  }
0x80: {  	[bflag:$0x0] =	sbarrier.arrive $0xFFFF  }
0x81: {  	p0 =	sne.s32 s0, $0x0;
	_ =	strace $0x9000004A  }
0x82: {  	s0 =	sadd.s32 @!p0 $0x100000, s1;
	[bflag:$0x2] =	sbarrier.arrive $0xFFFF  }
0x83: {  	[sflag:s0] =	ssyncadd.tile.s32 @!p0 $0x1;
	_ =	shalt  }
.Lfunc_end2:
_tile_overlayer_lowered:
.L_overlay_start_2:
0x84: {  	(tag) =	ssettag $0x2  }
0x85: {  	s0 =	rddreg [dreg:$0x0];
	s2 =	stileid.u32  }
0x86: {  	s1 =	rddreg [dreg:$0x1];
	p0 =	sne.s32 s2, $0x0  }
0x87: {  	s3 =	rddreg [dreg:$0x2];
	[bflag:$0x3] =	sbarrier.arrive $0xFFFF;
	s2 =	simm.s32 @!p0 $0x1C05  }
0x88: {  	[timem:s3], [sflag:s2] =	dma.local @!p0 [hbm:s0], s1  }
0x89: {  	s0 =	simm.s32 @!p0 $0x5  }
0x8a: {  	_ =	swait.ge @!p0 [sflag:s0], s1  }
0x8b: {  	s1 =	ssub.s32 @!p0 $0x0, s1;
	[sflag:s0] =	ssyncset.done @!p0 $0x0  }
0x8c: {  	[sflag:s0] =	ssyncadd.s32 @!p0 s1  }
0x8d: {  	[bflag:$0x3] =	sbarrier.arrive $0xFFFF  }
0x8e: {  	_ =	shalt  }

</sc_bundles>
